<compile_context>
chip_gen: v7x
topology: tpu7x:2x2x1
jax: 0.10.2.dev20260603
libtpu: 0.0.44.dev20260713+nightly
codegen_flags: <defaults>
</compile_context>

<pallas_src>
import functools

import jax
import jax.numpy as jnp
from jax import lax
from jax.experimental import pallas as pl
from jax.experimental.pallas import tpu as pltpu
from jax.experimental.pallas import tpu_sc as plsc

V = 100000
K = 64
NC = 2
NS = 16
NW = NC * NS
L = 16

ROWS_PER_W = 3136
LAST_ROWS = V - (NW - 1) * ROWS_PER_W
CHUNK = 32
CHUNKS_FULL = ROWS_PER_W // CHUNK
CHUNKS_LAST = LAST_ROWS // CHUNK


@functools.lru_cache(maxsize=1)
def _make_sc_diff():
    mesh = plsc.VectorSubcoreMesh(core_axis_name="c", subcore_axis_name="s",
                                  num_cores=NC, num_subcores=NS)

    @functools.partial(
        pl.kernel,
        mesh=mesh,
        out_type=jax.ShapeDtypeStruct((V,), jnp.float32),
        scratch_types=[
            pltpu.VMEM((V,), jnp.float32),
            pltpu.VMEM((CHUNK * K,), jnp.int32),
            pltpu.VMEM((ROWS_PER_W,), jnp.float32),
        ],
        compiler_params=pltpu.CompilerParams(needs_layout_passes=False),
    )
    def sc_diff(score_hbm, nidx_hbm, diff_hbm, score_v, nidx_v, diff_v):
        wid = lax.axis_index("s") * NC + lax.axis_index("c")
        wbase = wid * ROWS_PER_W
        nchunks = jnp.where(wid == NW - 1, CHUNKS_LAST, CHUNKS_FULL)

        pltpu.sync_copy(score_hbm, score_v)

        lanes = lax.iota(jnp.int32, 16)

        def chunk_body(c, carry):
            word_base = (wbase + c * CHUNK) * K
            pltpu.sync_copy(nidx_hbm.at[pl.ds(word_base, CHUNK * K)], nidx_v)
            for g in range(CHUNK // L):
                rowoff = (lanes + g * L) * K
                srow = score_v[pl.ds(wbase + c * CHUNK + g * L, L)]
                idx = plsc.load_gather(nidx_v, [rowoff + 1])
                acc = plsc.load_gather(score_v, [idx])
                for k in range(2, K):
                    idx = plsc.load_gather(nidx_v, [rowoff + k])
                    s = plsc.load_gather(score_v, [idx])
                    acc = jnp.maximum(acc, s)
                diff_v[pl.ds(c * CHUNK + g * L, L)] = srow - acc
            return carry

        lax.fori_loop(0, nchunks, chunk_body, 0)

        @pl.when(wid == NW - 1)
        def _():
            pltpu.sync_copy(diff_v.at[pl.ds(0, LAST_ROWS)],
                            diff_hbm.at[pl.ds(wbase, LAST_ROWS)])

        @pl.when(wid != NW - 1)
        def _():
            pltpu.sync_copy(diff_v, diff_hbm.at[pl.ds(wbase, ROWS_PER_W)])

    return sc_diff


R2 = V * K // 128
TB = 1000


def _tc_body(diff_ref, dist_ref, nidx_ref, do_ref, no_ref):
    d = diff_ref[...]
    dfull = jnp.concatenate(
        [jnp.broadcast_to(d[:, 0:1], (TB, 64)),
         jnp.broadcast_to(d[:, 1:2], (TB, 64))], axis=1)
    mask = dfull < 0.0
    dist_blk = dist_ref[...]
    nidx_blk = nidx_ref[...]
    do_ref[...] = jnp.where(mask, 0.0, dist_blk)
    col = lax.broadcasted_iota(jnp.int32, (TB, 128), 1) & 63
    noneigh = jnp.where(col == 0, nidx_blk, -1)
    no_ref[...] = jnp.where(mask, noneigh, nidx_blk)


_tc_select = pl.pallas_call(
    _tc_body,
    grid=(R2 // TB,),
    in_specs=[pl.BlockSpec((TB, 2), lambda i: (i, 0)),
              pl.BlockSpec((TB, 128), lambda i: (i, 0)),
              pl.BlockSpec((TB, 128), lambda i: (i, 0))],
    out_specs=[pl.BlockSpec((TB, 128), lambda i: (i, 0)),
               pl.BlockSpec((TB, 128), lambda i: (i, 0))],
    out_shape=[jax.ShapeDtypeStruct((R2, 128), jnp.float32),
               jax.ShapeDtypeStruct((R2, 128), jnp.int32)],
)


def kernel(dist, nidx, score):
    diff = _make_sc_diff()(score.reshape(-1), nidx.reshape(-1))
    do2, no2 = _tc_select(diff.reshape(R2, 2),
                          dist.reshape(R2, 128),
                          nidx.reshape(R2, 128))
    return do2.reshape(V, K), no2.reshape(V, K)

# --- scband reference (transcript-rebuilt; emitter-appended) ---
"""Pipeline reference for scband-directed-graph-builder-36094905155926 (READ-ONLY COPY).

The authoritative reference and input builder live on the scoring server;
editing this copy changes nothing except your own understanding.
"""

import jax, jax.numpy as jnp
import numpy as np

N = 100000
K = 64


def select_with_default(idx, tensor, default):
    # idx: [V, K] int, -1 means 'no neighbour'
    # tensor: [V, F] float
    # returns [V, K, F] with `default` where idx < 0
    mask = idx < 0
    safe_idx = jnp.where(mask, 0, idx)
    gathered = jnp.take(tensor, safe_idx, axis=0)  # [V, K, F]
    return jnp.where(mask[..., None], default, gathered)


def setup_inputs(seed: int = 0) -> dict:
    key = jax.random.key(seed)
    k1, k2, k3 = jax.random.split(key, 3)
    dist = jax.random.uniform(k1, (N, K), dtype=jnp.float32)
    nidx = jax.random.randint(k2, (N, K), 0, N, dtype=jnp.int32)
    score = jax.random.uniform(k3, (N, 1), dtype=jnp.float32)
    return {"dist": dist, "nidx": nidx, "score": score}


def reference(dist, nidx, score):
    # Faithful translation of DirectedGraphBuilder.call
    neighscores = select_with_default(nidx, score, -10000.0)  # [V, K, 1]
    diff = score - jnp.max(neighscores[:, 1:], axis=1)  # [V, 1]
    noneigh = jnp.zeros_like(nidx[:, 1:]) - 1
    noneigh = jnp.concatenate([nidx[:, 0:1], noneigh], axis=-1)  # [V, K]
    dist_out = jnp.where(diff < 0, 0.0, dist)  # broadcast [V,1] over [V,K]
    nidx_out = jnp.where(diff < 0, noneigh, nidx)
    return (dist_out, nidx_out)

if __name__ == "__main__":
    import jax
    _d = setup_inputs()
    print(jax.jit(kernel)(*tuple(_d.values())))

</pallas_src>

<mosaic_0001>
#map = affine_map<(d0, d1) -> (0)>
module attributes {stable_mosaic.version = 14 : i64} {
  func.func @sc_diff(%arg0: i32, %arg1: i32, %arg2: memref<100000xf32, #tpu.memory_space<hbm>>, %arg3: memref<6400000xi32, #tpu.memory_space<hbm>>, %arg4: memref<100000xf32, #tpu.memory_space<hbm>>, %arg5: memref<100000xf32, #tpu.memory_space<vmem>>, %arg6: memref<2048xi32, #tpu.memory_space<vmem>>, %arg7: memref<3136xf32, #tpu.memory_space<vmem>>) attributes {dimension_semantics = [#tpu.dimension_semantics<core_parallel>, #tpu.dimension_semantics<subcore_parallel>], iteration_bounds = array<i64: 2, 16>, scalar_prefetch = 0 : i64, scratch_operands = 3 : i64, tpu.core_type = #tpu.core_type<sc_vector_subcore>, window_params = [{transform_indices = #map}, {transform_indices = #map}, {transform_indices = #map}]} {
    %mul3A = arith.constant 2 : i32
    %mul3A_0 = arith.muli %arg1, %mul3A : i32
    %add3A = arith.addi %mul3A_0, %arg0 : i32
    %mul3A_1 = arith.constant 3136 : i32
    %mul3A_2 = arith.muli %add3A, %mul3A_1 : i32
    %eq3A = arith.constant 31 : i32
    %eq3A_3 = arith.cmpi eq, %add3A, %eq3A : i32
    %jit3A = arith.constant 87 : i32
    %jit3A_4 = arith.constant 98 : i32
    %select_n3A = arith.select %eq3A_3, %jit3A, %jit3A_4 : i32
    "tpu.region"() ({
      %run_scoped3A = tpu.sem_alloc : memref<!tpu.dma_semaphore, #tpu.memory_space<semaphore_mem>>
      tpu.enqueue_dma source(%arg2 : memref<100000xf32, #tpu.memory_space<hbm>>) target(%arg5 : memref<100000xf32, #tpu.memory_space<vmem>>) target_semaphore(%run_scoped3A : memref<!tpu.dma_semaphore, #tpu.memory_space<semaphore_mem>>)
      tpu.wait_dma2 semaphore(%run_scoped3A : memref<!tpu.dma_semaphore, #tpu.memory_space<semaphore_mem>>) src(%arg2 : memref<100000xf32, #tpu.memory_space<hbm>>) dst(%arg5 : memref<100000xf32, #tpu.memory_space<vmem>>)
      tpu.yield
    }) : () -> ()
    %iota3A = tpu.iota {dimensions = array<i32: 0>} : vector<16xi32>
    %while3A = arith.constant 0 : i32
    %while3A_5 = arith.constant 0 : i32
    %while3A_6 = arith.subi %select_n3A, %while3A_5 : i32
    %while3A_7 = arith.addi %while3A_5, %while3A_6 : i32
    %while3A_8 = arith.constant 1 : i32
    %while3A_9 = arith.divsi %while3A_6, %while3A_8 : i32
    %while3A_10 = arith.muli %while3A_9, %while3A_8 : i32
    %while3A_11 = arith.addi %while3A_5, %while3A_10 : i32
    %while3A_12 = arith.constant 1 : i32
    scf.for %while3A_21 = %while3A_5 to %while3A_11 step %while3A_12  : i32 {
      %mul3A_22 = arith.constant 32 : i32
      %mul3A_23 = arith.muli %while3A_21, %mul3A_22 : i32
      %add3A_24 = arith.addi %mul3A_2, %mul3A_23 : i32
      %mul3A_25 = arith.constant 64 : i32
      %mul3A_26 = arith.muli %add3A_24, %mul3A_25 : i32
      "tpu.region"() ({
        %run_scoped3A = tpu.sem_alloc : memref<!tpu.dma_semaphore, #tpu.memory_space<semaphore_mem>>
        %dma_start3A = tpu.memref_slice %arg3[%mul3A_26] : memref<6400000xi32, #tpu.memory_space<hbm>> -> memref<2048xi32, #tpu.memory_space<hbm>>
        %dma_start3A_816 = tpu.memref_slice %arg3[%mul3A_26] : memref<6400000xi32, #tpu.memory_space<hbm>> -> memref<2048xi32, #tpu.memory_space<hbm>>
        tpu.enqueue_dma source(%dma_start3A_816 : memref<2048xi32, #tpu.memory_space<hbm>>) target(%arg6 : memref<2048xi32, #tpu.memory_space<vmem>>) target_semaphore(%run_scoped3A : memref<!tpu.dma_semaphore, #tpu.memory_space<semaphore_mem>>)
        %dma_wait3A = tpu.memref_slice %arg3[%mul3A_26] : memref<6400000xi32, #tpu.memory_space<hbm>> -> memref<2048xi32, #tpu.memory_space<hbm>>
        %dma_wait3A_817 = tpu.memref_slice %arg3[%mul3A_26] : memref<6400000xi32, #tpu.memory_space<hbm>> -> memref<2048xi32, #tpu.memory_space<hbm>>
        tpu.wait_dma2 semaphore(%run_scoped3A : memref<!tpu.dma_semaphore, #tpu.memory_space<semaphore_mem>>) src(%dma_wait3A_817 : memref<2048xi32, #tpu.memory_space<hbm>>) dst(%arg6 : memref<2048xi32, #tpu.memory_space<vmem>>)
        tpu.yield
      }) : () -> ()
      %add3A_27 = arith.constant 0 : i32
      %add3A_28 = vector.broadcast %add3A_27 : i32 to vector<16xi32>
      %add3A_29 = arith.addi %iota3A, %add3A_28 : vector<16xi32>
      %mul3A_30 = arith.constant 64 : i32
      %mul3A_31 = vector.broadcast %mul3A_30 : i32 to vector<16xi32>
      %mul3A_32 = arith.muli %add3A_29, %mul3A_31 : vector<16xi32>
      %mul3A_33 = arith.constant 32 : i32
      %mul3A_34 = arith.muli %while3A_21, %mul3A_33 : i32
      %add3A_35 = arith.addi %mul3A_2, %mul3A_34 : i32
      %add3A_36 = arith.constant 0 : i32
      %add3A_37 = arith.addi %add3A_35, %add3A_36 : i32
      %get3A = arith.index_cast %add3A_37 : i32 to index
      %get3A_38 = tpu.vector_load %arg5[%get3A] {strides = array<i32>} : memref<100000xf32, #tpu.memory_space<vmem>>, vector<16xf32>,
      %add3A_39 = arith.constant 1 : i32
      %add3A_40 = vector.broadcast %add3A_39 : i32 to vector<16xi32>
      %add3A_41 = arith.addi %mul3A_32, %add3A_40 : vector<16xi32>
      %gather3A = tpu.vector_load_idx %arg6[%add3A_41] : memref<2048xi32, #tpu.memory_space<vmem>>[vector<16xi32>], vector<16xi32>,
      %gather3A_42 = tpu.vector_load_idx %arg5[%gather3A] : memref<100000xf32, #tpu.memory_space<vmem>>[vector<16xi32>], vector<16xf32>,
      %add3A_43 = arith.constant 2 : i32
      %add3A_44 = vector.broadcast %add3A_43 : i32 to vector<16xi32>
      %add3A_45 = arith.addi %mul3A_32, %add3A_44 : vector<16xi32>
      %gather3A_46 = tpu.vector_load_idx %arg6[%add3A_45] : memref<2048xi32, #tpu.memory_space<vmem>>[vector<16xi32>], vector<16xi32>,
      %gather3A_47 = tpu.vector_load_idx %arg5[%gather3A_46] : memref<100000xf32, #tpu.memory_space<vmem>>[vector<16xi32>], vector<16xf32>,
      %max3A = arith.maximumf %gather3A_42, %gather3A_47 : vector<16xf32>
      %add3A_48 = arith.constant 3 : i32
      %add3A_49 = vector.broadcast %add3A_48 : i32 to vector<16xi32>
      %add3A_50 = arith.addi %mul3A_32, %add3A_49 : vector<16xi32>
      %gather3A_51 = tpu.vector_load_idx %arg6[%add3A_50] : memref<2048xi32, #tpu.memory_space<vmem>>[vector<16xi32>], vector<16xi32>,
      %gather3A_52 = tpu.vector_load_idx %arg5[%gather3A_51] : memref<100000xf32, #tpu.memory_space<vmem>>[vector<16xi32>], vector<16xf32>,
      %max3A_53 = arith.maximumf %max3A, %gather3A_52 : vector<16xf32>
      %add3A_54 = arith.constant 4 : i32
      %add3A_55 = vector.broadcast %add3A_54 : i32 to vector<16xi32>
      %add3A_56 = arith.addi %mul3A_32, %add3A_55 : vector<16xi32>
      %gather3A_57 = tpu.vector_load_idx %arg6[%add3A_56] : memref<2048xi32, #tpu.memory_space<vmem>>[vector<16xi32>], vector<16xi32>,
      %gather3A_58 = tpu.vector_load_idx %arg5[%gather3A_57] : memref<100000xf32, #tpu.memory_space<vmem>>[vector<16xi32>], vector<16xf32>,
      %max3A_59 = arith.maximumf %max3A_53, %gather3A_58 : vector<16xf32>
      %add3A_60 = arith.constant 5 : i32
      %add3A_61 = vector.broadcast %add3A_60 : i32 to vector<16xi32>
      %add3A_62 = arith.addi %mul3A_32, %add3A_61 : vector<16xi32>
      %gather3A_63 = tpu.vector_load_idx %arg6[%add3A_62] : memref<2048xi32, #tpu.memory_space<vmem>>[vector<16xi32>], vector<16xi32>,
      %gather3A_64 = tpu.vector_load_idx %arg5[%gather3A_63] : memref<100000xf32, #tpu.memory_space<vmem>>[vector<16xi32>], vector<16xf32>,
      %max3A_65 = arith.maximumf %max3A_59, %gather3A_64 : vector<16xf32>
      %add3A_66 = arith.constant 6 : i32
      %add3A_67 = vector.broadcast %add3A_66 : i32 to vector<16xi32>
      %add3A_68 = arith.addi %mul3A_32, %add3A_67 : vector<16xi32>
      %gather3A_69 = tpu.vector_load_idx %arg6[%add3A_68] : memref<2048xi32, #tpu.memory_space<vmem>>[vector<16xi32>], vector<16xi32>,
      %gather3A_70 = tpu.vector_load_idx %arg5[%gather3A_69] : memref<100000xf32, #tpu.memory_space<vmem>>[vector<16xi32>], vector<16xf32>,
      %max3A_71 = arith.maximumf %max3A_65, %gather3A_70 : vector<16xf32>
      %add3A_72 = arith.constant 7 : i32
      %add3A_73 = vector.broadcast %add3A_72 : i32 to vector<16xi32>
      %add3A_74 = arith.addi %mul3A_32, %add3A_73 : vector<16xi32>
      %gather3A_75 = tpu.vector_load_idx %arg6[%add3A_74] : memref<2048xi32, #tpu.memory_space<vmem>>[vector<16xi32>], vector<16xi32>,
      %gather3A_76 = tpu.vector_load_idx %arg5[%gather3A_75] : memref<100000xf32, #tpu.memory_space<vmem>>[vector<16xi32>], vector<16xf32>,
      %max3A_77 = arith.maximumf %max3A_71, %gather3A_76 : vector<16xf32>
      %add3A_78 = arith.constant 8 : i32
      %add3A_79 = vector.broadcast %add3A_78 : i32 to vector<16xi32>
      %add3A_80 = arith.addi %mul3A_32, %add3A_79 : vector<16xi32>
      %gather3A_81 = tpu.vector_load_idx %arg6[%add3A_80] : memref<2048xi32, #tpu.memory_space<vmem>>[vector<16xi32>], vector<16xi32>,
      %gather3A_82 = tpu.vector_load_idx %arg5[%gather3A_81] : memref<100000xf32, #tpu.memory_space<vmem>>[vector<16xi32>], vector<16xf32>,
      %max3A_83 = arith.maximumf %max3A_77, %gather3A_82 : vector<16xf32>
      %add3A_84 = arith.constant 9 : i32
      %add3A_85 = vector.broadcast %add3A_84 : i32 to vector<16xi32>
      %add3A_86 = arith.addi %mul3A_32, %add3A_85 : vector<16xi32>
      %gather3A_87 = tpu.vector_load_idx %arg6[%add3A_86] : memref<2048xi32, #tpu.memory_space<vmem>>[vector<16xi32>], vector<16xi32>,
      %gather3A_88 = tpu.vector_load_idx %arg5[%gather3A_87] : memref<100000xf32, #tpu.memory_space<vmem>>[vector<16xi32>], vector<16xf32>,
      %max3A_89 = arith.maximumf %max3A_83, %gather3A_88 : vector<16xf32>
      %add3A_90 = arith.constant 10 : i32
      %add3A_91 = vector.broadcast %add3A_90 : i32 to vector<16xi32>
      %add3A_92 = arith.addi %mul3A_32, %add3A_91 : vector<16xi32>
      %gather3A_93 = tpu.vector_load_idx %arg6[%add3A_92] : memref<2048xi32, #tpu.memory_space<vmem>>[vector<16xi32>], vector<16xi32>,
      %gather3A_94 = tpu.vector_load_idx %arg5[%gather3A_93] : memref<100000xf32, #tpu.memory_space<vmem>>[vector<16xi32>], vector<16xf32>,
      %max3A_95 = arith.maximumf %max3A_89, %gather3A_94 : vector<16xf32>
      %add3A_96 = arith.constant 11 : i32
      %add3A_97 = vector.broadcast %add3A_96 : i32 to vector<16xi32>
      %add3A_98 = arith.addi %mul3A_32, %add3A_97 : vector<16xi32>
      %gather3A_99 = tpu.vector_load_idx %arg6[%add3A_98] : memref<2048xi32, #tpu.memory_space<vmem>>[vector<16xi32>], vector<16xi32>,
      %gather3A_100 = tpu.vector_load_idx %arg5[%gather3A_99] : memref<100000xf32, #tpu.memory_space<vmem>>[vector<16xi32>], vector<16xf32>,
      %max3A_101 = arith.maximumf %max3A_95, %gather3A_100 : vector<16xf32>
      %add3A_102 = arith.constant 12 : i32
      %add3A_103 = vector.broadcast %add3A_102 : i32 to vector<16xi32>
      %add3A_104 = arith.addi %mul3A_32, %add3A_103 : vector<16xi32>
      %gather3A_105 = tpu.vector_load_idx %arg6[%add3A_104] : memref<2048xi32, #tpu.memory_space<vmem>>[vector<16xi32>], vector<16xi32>,
      %gather3A_106 = tpu.vector_load_idx %arg5[%gather3A_105] : memref<100000xf32, #tpu.memory_space<vmem>>[vector<16xi32>], vector<16xf32>,
      %max3A_107 = arith.maximumf %max3A_101, %gather3A_106 : vector<16xf32>
      %add3A_108 = arith.constant 13 : i32
      %add3A_109 = vector.broadcast %add3A_108 : i32 to vector<16xi32>
      %add3A_110 = arith.addi %mul3A_32, %add3A_109 : vector<16xi32>
      %gather3A_111 = tpu.vector_load_idx %arg6[%add3A_110] : memref<2048xi32, #tpu.memory_space<vmem>>[vector<16xi32>], vector<16xi32>,
      %gather3A_112 = tpu.vector_load_idx %arg5[%gather3A_111] : memref<100000xf32, #tpu.memory_space<vmem>>[vector<16xi32>], vector<16xf32>,
      %max3A_113 = arith.maximumf %max3A_107, %gather3A_112 : vector<16xf32>
      %add3A_114 = arith.constant 14 : i32
      %add3A_115 = vector.broadcast %add3A_114 : i32 to vector<16xi32>
      %add3A_116 = arith.addi %mul3A_32, %add3A_115 : vector<16xi32>
      %gather3A_117 = tpu.vector_load_idx %arg6[%add3A_116] : memref<2048xi32, #tpu.memory_space<vmem>>[vector<16xi32>], vector<16xi32>,
      %gather3A_118 = tpu.vector_load_idx %arg5[%gather3A_117] : memref<100000xf32, #tpu.memory_space<vmem>>[vector<16xi32>], vector<16xf32>,
      %max3A_119 = arith.maximumf %max3A_113, %gather3A_118 : vector<16xf32>
      %add3A_120 = arith.constant 15 : i32
      %add3A_121 = vector.broadcast %add3A_120 : i32 to vector<16xi32>
      %add3A_122 = arith.addi %mul3A_32, %add3A_121 : vector<16xi32>
      %gather3A_123 = tpu.vector_load_idx %arg6[%add3A_122] : memref<2048xi32, #tpu.memory_space<vmem>>[vector<16xi32>], vector<16xi32>,
      %gather3A_124 = tpu.vector_load_idx %arg5[%gather3A_123] : memref<100000xf32, #tpu.memory_space<vmem>>[vector<16xi32>], vector<16xf32>,
      %max3A_125 = arith.maximumf %max3A_119, %gather3A_124 : vector<16xf32>
      %add3A_126 = arith.constant 16 : i32
      %add3A_127 = vector.broadcast %add3A_126 : i32 to vector<16xi32>
      %add3A_128 = arith.addi %mul3A_32, %add3A_127 : vector<16xi32>
      %gather3A_129 = tpu.vector_load_idx %arg6[%add3A_128] : memref<2048xi32, #tpu.memory_space<vmem>>[vector<16xi32>], vector<16xi32>,
      %gather3A_130 = tpu.vector_load_idx %arg5[%gather3A_129] : memref<100000xf32, #tpu.memory_space<vmem>>[vector<16xi32>], vector<16xf32>,
      %max3A_131 = arith.maximumf %max3A_125, %gather3A_130 : vector<16xf32>
      %add3A_132 = arith.constant 17 : i32
      %add3A_133 = vector.broadcast %add3A_132 : i32 to vector<16xi32>
      %add3A_134 = arith.addi %mul3A_32, %add3A_133 : vector<16xi32>
      %gather3A_135 = tpu.vector_load_idx %arg6[%add3A_134] : memref<2048xi32, #tpu.memory_space<vmem>>[vector<16xi32>], vector<16xi32>,
      %gather3A_136 = tpu.vector_load_idx %arg5[%gather3A_135] : memref<100000xf32, #tpu.memory_space<vmem>>[vector<16xi32>], vector<16xf32>,
      %max3A_137 = arith.maximumf %max3A_131, %gather3A_136 : vector<16xf32>
      %add3A_138 = arith.constant 18 : i32
      %add3A_139 = vector.broadcast %add3A_138 : i32 to vector<16xi32>
      %add3A_140 = arith.addi %mul3A_32, %add3A_139 : vector<16xi32>
      %gather3A_141 = tpu.vector_load_idx %arg6[%add3A_140] : memref<2048xi32, #tpu.memory_space<vmem>>[vector<16xi32>], vector<16xi32>,
      %gather3A_142 = tpu.vector_load_idx %arg5[%gather3A_141] : memref<100000xf32, #tpu.memory_space<vmem>>[vector<16xi32>], vector<16xf32>,
      %max3A_143 = arith.maximumf %max3A_137, %gather3A_142 : vector<16xf32>
      %add3A_144 = arith.constant 19 : i32
      %add3A_145 = vector.broadcast %add3A_144 : i32 to vector<16xi32>
      %add3A_146 = arith.addi %mul3A_32, %add3A_145 : vector<16xi32>
      %gather3A_147 = tpu.vector_load_idx %arg6[%add3A_146] : memref<2048xi32, #tpu.memory_space<vmem>>[vector<16xi32>], vector<16xi32>,
      %gather3A_148 = tpu.vector_load_idx %arg5[%gather3A_147] : memref<100000xf32, #tpu.memory_space<vmem>>[vector<16xi32>], vector<16xf32>,
      %max3A_149 = arith.maximumf %max3A_143, %gather3A_148 : vector<16xf32>
      %add3A_150 = arith.constant 20 : i32
      %add3A_151 = vector.broadcast %add3A_150 : i32 to vector<16xi32>
      %add3A_152 = arith.addi %mul3A_32, %add3A_151 : vector<16xi32>
      %gather3A_153 = tpu.vector_load_idx %arg6[%add3A_152] : memref<2048xi32, #tpu.memory_space<vmem>>[vector<16xi32>], vector<16xi32>,
      %gather3A_154 = tpu.vector_load_idx %arg5[%gather3A_153] : memref<100000xf32, #tpu.memory_space<vmem>>[vector<16xi32>], vector<16xf32>,
      %max3A_155 = arith.maximumf %max3A_149, %gather3A_154 : vector<16xf32>
      %add3A_156 = arith.constant 21 : i32
      %add3A_157 = vector.broadcast %add3A_156 : i32 to vector<16xi32>
      %add3A_158 = arith.addi %mul3A_32, %add3A_157 : vector<16xi32>
      %gather3A_159 = tpu.vector_load_idx %arg6[%add3A_158] : memref<2048xi32, #tpu.memory_space<vmem>>[vector<16xi32>], vector<16xi32>,
      %gather3A_160 = tpu.vector_load_idx %arg5[%gather3A_159] : memref<100000xf32, #tpu.memory_space<vmem>>[vector<16xi32>], vector<16xf32>,
      %max3A_161 = arith.maximumf %max3A_155, %gather3A_160 : vector<16xf32>
      %add3A_162 = arith.constant 22 : i32
      %add3A_163 = vector.broadcast %add3A_162 : i32 to vector<16xi32>
      %add3A_164 = arith.addi %mul3A_32, %add3A_163 : vector<16xi32>
      %gather3A_165 = tpu.vector_load_idx %arg6[%add3A_164] : memref<2048xi32, #tpu.memory_space<vmem>>[vector<16xi32>], vector<16xi32>,
      %gather3A_166 = tpu.vector_load_idx %arg5[%gather3A_165] : memref<100000xf32, #tpu.memory_space<vmem>>[vector<16xi32>], vector<16xf32>,
      %max3A_167 = arith.maximumf %max3A_161, %gather3A_166 : vector<16xf32>
      %add3A_168 = arith.constant 23 : i32
      %add3A_169 = vector.broadcast %add3A_168 : i32 to vector<16xi32>
      %add3A_170 = arith.addi %mul3A_32, %add3A_169 : vector<16xi32>
      %gather3A_171 = tpu.vector_load_idx %arg6[%add3A_170] : memref<2048xi32, #tpu.memory_space<vmem>>[vector<16xi32>], vector<16xi32>,
      %gather3A_172 = tpu.vector_load_idx %arg5[%gather3A_171] : memref<100000xf32, #tpu.memory_space<vmem>>[vector<16xi32>], vector<16xf32>,
      %max3A_173 = arith.maximumf %max3A_167, %gather3A_172 : vector<16xf32>
      %add3A_174 = arith.constant 24 : i32
      %add3A_175 = vector.broadcast %add3A_174 : i32 to vector<16xi32>
      %add3A_176 = arith.addi %mul3A_32, %add3A_175 : vector<16xi32>
      %gather3A_177 = tpu.vector_load_idx %arg6[%add3A_176] : memref<2048xi32, #tpu.memory_space<vmem>>[vector<16xi32>], vector<16xi32>,
      %gather3A_178 = tpu.vector_load_idx %arg5[%gather3A_177] : memref<100000xf32, #tpu.memory_space<vmem>>[vector<16xi32>], vector<16xf32>,
      %max3A_179 = arith.maximumf %max3A_173, %gather3A_178 : vector<16xf32>
      %add3A_180 = arith.constant 25 : i32
      %add3A_181 = vector.broadcast %add3A_180 : i32 to vector<16xi32>
      %add3A_182 = arith.addi %mul3A_32, %add3A_181 : vector<16xi32>
      %gather3A_183 = tpu.vector_load_idx %arg6[%add3A_182] : memref<2048xi32, #tpu.memory_space<vmem>>[vector<16xi32>], vector<16xi32>,
      %gather3A_184 = tpu.vector_load_idx %arg5[%gather3A_183] : memref<100000xf32, #tpu.memory_space<vmem>>[vector<16xi32>], vector<16xf32>,
      %max3A_185 = arith.maximumf %max3A_179, %gather3A_184 : vector<16xf32>
      %add3A_186 = arith.constant 26 : i32
      %add3A_187 = vector.broadcast %add3A_186 : i32 to vector<16xi32>
      %add3A_188 = arith.addi %mul3A_32, %add3A_187 : vector<16xi32>
      %gather3A_189 = tpu.vector_load_idx %arg6[%add3A_188] : memref<2048xi32, #tpu.memory_space<vmem>>[vector<16xi32>], vector<16xi32>,
      %gather3A_190 = tpu.vector_load_idx %arg5[%gather3A_189] : memref<100000xf32, #tpu.memory_space<vmem>>[vector<16xi32>], vector<16xf32>,
      %max3A_191 = arith.maximumf %max3A_185, %gather3A_190 : vector<16xf32>
      %add3A_192 = arith.constant 27 : i32
      %add3A_193 = vector.broadcast %add3A_192 : i32 to vector<16xi32>
      %add3A_194 = arith.addi %mul3A_32, %add3A_193 : vector<16xi32>
      %gather3A_195 = tpu.vector_load_idx %arg6[%add3A_194] : memref<2048xi32, #tpu.memory_space<vmem>>[vector<16xi32>], vector<16xi32>,
      %gather3A_196 = tpu.vector_load_idx %arg5[%gather3A_195] : memref<100000xf32, #tpu.memory_space<vmem>>[vector<16xi32>], vector<16xf32>,
      %max3A_197 = arith.maximumf %max3A_191, %gather3A_196 : vector<16xf32>
      %add3A_198 = arith.constant 28 : i32
      %add3A_199 = vector.broadcast %add3A_198 : i32 to vector<16xi32>
      %add3A_200 = arith.addi %mul3A_32, %add3A_199 : vector<16xi32>
      %gather3A_201 = tpu.vector_load_idx %arg6[%add3A_200] : memref<2048xi32, #tpu.memory_space<vmem>>[vector<16xi32>], vector<16xi32>,
      %gather3A_202 = tpu.vector_load_idx %arg5[%gather3A_201] : memref<100000xf32, #tpu.memory_space<vmem>>[vector<16xi32>], vector<16xf32>,
      %max3A_203 = arith.maximumf %max3A_197, %gather3A_202 : vector<16xf32>
      %add3A_204 = arith.constant 29 : i32
      %add3A_205 = vector.broadcast %add3A_204 : i32 to vector<16xi32>
      %add3A_206 = arith.addi %mul3A_32, %add3A_205 : vector<16xi32>
      %gather3A_207 = tpu.vector_load_idx %arg6[%add3A_206] : memref<2048xi32, #tpu.memory_space<vmem>>[vector<16xi32>], vector<16xi32>,
      %gather3A_208 = tpu.vector_load_idx %arg5[%gather3A_207] : memref<100000xf32, #tpu.memory_space<vmem>>[vector<16xi32>], vector<16xf32>,
      %max3A_209 = arith.maximumf %max3A_203, %gather3A_208 : vector<16xf32>
      %add3A_210 = arith.constant 30 : i32
      %add3A_211 = vector.broadcast %add3A_210 : i32 to vector<16xi32>
      %add3A_212 = arith.addi %mul3A_32, %add3A_211 : vector<16xi32>
      %gather3A_213 = tpu.vector_load_idx %arg6[%add3A_212] : memref<2048xi32, #tpu.memory_space<vmem>>[vector<16xi32>], vector<16xi32>,
      %gather3A_214 = tpu.vector_load_idx %arg5[%gather3A_213] : memref<100000xf32, #tpu.memory_space<vmem>>[vector<16xi32>], vector<16xf32>,
      %max3A_215 = arith.maximumf %max3A_209, %gather3A_214 : vector<16xf32>
      %add3A_216 = arith.constant 31 : i32
      %add3A_217 = vector.broadcast %add3A_216 : i32 to vector<16xi32>
      %add3A_218 = arith.addi %mul3A_32, %add3A_217 : vector<16xi32>
      %gather3A_219 = tpu.vector_load_idx %arg6[%add3A_218] : memref<2048xi32, #tpu.memory_space<vmem>>[vector<16xi32>], vector<16xi32>,
      %gather3A_220 = tpu.vector_load_idx %arg5[%gather3A_219] : memref<100000xf32, #tpu.memory_space<vmem>>[vector<16xi32>], vector<16xf32>,
      %max3A_221 = arith.maximumf %max3A_215, %gather3A_220 : vector<16xf32>
      %add3A_222 = arith.constant 32 : i32
      %add3A_223 = vector.broadcast %add3A_222 : i32 to vector<16xi32>
      %add3A_224 = arith.addi %mul3A_32, %add3A_223 : vector<16xi32>
      %gather3A_225 = tpu.vector_load_idx %arg6[%add3A_224] : memref<2048xi32, #tpu.memory_space<vmem>>[vector<16xi32>], vector<16xi32>,
      %gather3A_226 = tpu.vector_load_idx %arg5[%gather3A_225] : memref<100000xf32, #tpu.memory_space<vmem>>[vector<16xi32>], vector<16xf32>,
      %max3A_227 = arith.maximumf %max3A_221, %gather3A_226 : vector<16xf32>
      %add3A_228 = arith.constant 33 : i32
      %add3A_229 = vector.broadcast %add3A_228 : i32 to vector<16xi32>
      %add3A_230 = arith.addi %mul3A_32, %add3A_229 : vector<16xi32>
      %gather3A_231 = tpu.vector_load_idx %arg6[%add3A_230] : memref<2048xi32, #tpu.memory_space<vmem>>[vector<16xi32>], vector<16xi32>,
      %gather3A_232 = tpu.vector_load_idx %arg5[%gather3A_231] : memref<100000xf32, #tpu.memory_space<vmem>>[vector<16xi32>], vector<16xf32>,
      %max3A_233 = arith.maximumf %max3A_227, %gather3A_232 : vector<16xf32>
      %add3A_234 = arith.constant 34 : i32
      %add3A_235 = vector.broadcast %add3A_234 : i32 to vector<16xi32>
      %add3A_236 = arith.addi %mul3A_32, %add3A_235 : vector<16xi32>
      %gather3A_237 = tpu.vector_load_idx %arg6[%add3A_236] : memref<2048xi32, #tpu.memory_space<vmem>>[vector<16xi32>], vector<16xi32>,
      %gather3A_238 = tpu.vector_load_idx %arg5[%gather3A_237] : memref<100000xf32, #tpu.memory_space<vmem>>[vector<16xi32>], vector<16xf32>,
      %max3A_239 = arith.maximumf %max3A_233, %gather3A_238 : vector<16xf32>
      %add3A_240 = arith.constant 35 : i32
      %add3A_241 = vector.broadcast %add3A_240 : i32 to vector<16xi32>
      %add3A_242 = arith.addi %mul3A_32, %add3A_241 : vector<16xi32>
      %gather3A_243 = tpu.vector_load_idx %arg6[%add3A_242] : memref<2048xi32, #tpu.memory_space<vmem>>[vector<16xi32>], vector<16xi32>,
      %gather3A_244 = tpu.vector_load_idx %arg5[%gather3A_243] : memref<100000xf32, #tpu.memory_space<vmem>>[vector<16xi32>], vector<16xf32>,
      %max3A_245 = arith.maximumf %max3A_239, %gather3A_244 : vector<16xf32>
      %add3A_246 = arith.constant 36 : i32
      %add3A_247 = vector.broadcast %add3A_246 : i32 to vector<16xi32>
      %add3A_248 = arith.addi %mul3A_32, %add3A_247 : vector<16xi32>
      %gather3A_249 = tpu.vector_load_idx %arg6[%add3A_248] : memref<2048xi32, #tpu.memory_space<vmem>>[vector<16xi32>], vector<16xi32>,
      %gather3A_250 = tpu.vector_load_idx %arg5[%gather3A_249] : memref<100000xf32, #tpu.memory_space<vmem>>[vector<16xi32>], vector<16xf32>,
      %max3A_251 = arith.maximumf %max3A_245, %gather3A_250 : vector<16xf32>
      %add3A_252 = arith.constant 37 : i32
      %add3A_253 = vector.broadcast %add3A_252 : i32 to vector<16xi32>
      %add3A_254 = arith.addi %mul3A_32, %add3A_253 : vector<16xi32>
      %gather3A_255 = tpu.vector_load_idx %arg6[%add3A_254] : memref<2048xi32, #tpu.memory_space<vmem>>[vector<16xi32>], vector<16xi32>,
      %gather3A_256 = tpu.vector_load_idx %arg5[%gather3A_255] : memref<100000xf32, #tpu.memory_space<vmem>>[vector<16xi32>], vector<16xf32>,
      %max3A_257 = arith.maximumf %max3A_251, %gather3A_256 : vector<16xf32>
      %add3A_258 = arith.constant 38 : i32
      %add3A_259 = vector.broadcast %add3A_258 : i32 to vector<16xi32>
      %add3A_260 = arith.addi %mul3A_32, %add3A_259 : vector<16xi32>
      %gather3A_261 = tpu.vector_load_idx %arg6[%add3A_260] : memref<2048xi32, #tpu.memory_space<vmem>>[vector<16xi32>], vector<16xi32>,
      %gather3A_262 = tpu.vector_load_idx %arg5[%gather3A_261] : memref<100000xf32, #tpu.memory_space<vmem>>[vector<16xi32>], vector<16xf32>,
      %max3A_263 = arith.maximumf %max3A_257, %gather3A_262 : vector<16xf32>
      %add3A_264 = arith.constant 39 : i32
      %add3A_265 = vector.broadcast %add3A_264 : i32 to vector<16xi32>
      %add3A_266 = arith.addi %mul3A_32, %add3A_265 : vector<16xi32>
      %gather3A_267 = tpu.vector_load_idx %arg6[%add3A_266] : memref<2048xi32, #tpu.memory_space<vmem>>[vector<16xi32>], vector<16xi32>,
      %gather3A_268 = tpu.vector_load_idx %arg5[%gather3A_267] : memref<100000xf32, #tpu.memory_space<vmem>>[vector<16xi32>], vector<16xf32>,
      %max3A_269 = arith.maximumf %max3A_263, %gather3A_268 : vector<16xf32>
      %add3A_270 = arith.constant 40 : i32
      %add3A_271 = vector.broadcast %add3A_270 : i32 to vector<16xi32>
      %add3A_272 = arith.addi %mul3A_32, %add3A_271 : vector<16xi32>
      %gather3A_273 = tpu.vector_load_idx %arg6[%add3A_272] : memref<2048xi32, #tpu.memory_space<vmem>>[vector<16xi32>], vector<16xi32>,
      %gather3A_274 = tpu.vector_load_idx %arg5[%gather3A_273] : memref<100000xf32, #tpu.memory_space<vmem>>[vector<16xi32>], vector<16xf32>,
      %max3A_275 = arith.maximumf %max3A_269, %gather3A_274 : vector<16xf32>
      %add3A_276 = arith.constant 41 : i32
      %add3A_277 = vector.broadcast %add3A_276 : i32 to vector<16xi32>
      %add3A_278 = arith.addi %mul3A_32, %add3A_277 : vector<16xi32>
      %gather3A_279 = tpu.vector_load_idx %arg6[%add3A_278] : memref<2048xi32, #tpu.memory_space<vmem>>[vector<16xi32>], vector<16xi32>,
      %gather3A_280 = tpu.vector_load_idx %arg5[%gather3A_279] : memref<100000xf32, #tpu.memory_space<vmem>>[vector<16xi32>], vector<16xf32>,
      %max3A_281 = arith.maximumf %max3A_275, %gather3A_280 : vector<16xf32>
      %add3A_282 = arith.constant 42 : i32
      %add3A_283 = vector.broadcast %add3A_282 : i32 to vector<16xi32>
      %add3A_284 = arith.addi %mul3A_32, %add3A_283 : vector<16xi32>
      %gather3A_285 = tpu.vector_load_idx %arg6[%add3A_284] : memref<2048xi32, #tpu.memory_space<vmem>>[vector<16xi32>], vector<16xi32>,
      %gather3A_286 = tpu.vector_load_idx %arg5[%gather3A_285] : memref<100000xf32, #tpu.memory_space<vmem>>[vector<16xi32>], vector<16xf32>,
      %max3A_287 = arith.maximumf %max3A_281, %gather3A_286 : vector<16xf32>
      %add3A_288 = arith.constant 43 : i32
      %add3A_289 = vector.broadcast %add3A_288 : i32 to vector<16xi32>
      %add3A_290 = arith.addi %mul3A_32, %add3A_289 : vector<16xi32>
      %gather3A_291 = tpu.vector_load_idx %arg6[%add3A_290] : memref<2048xi32, #tpu.memory_space<vmem>>[vector<16xi32>], vector<16xi32>,
      %gather3A_292 = tpu.vector_load_idx %arg5[%gather3A_291] : memref<100000xf32, #tpu.memory_space<vmem>>[vector<16xi32>], vector<16xf32>,
      %max3A_293 = arith.maximumf %max3A_287, %gather3A_292 : vector<16xf32>
      %add3A_294 = arith.constant 44 : i32
      %add3A_295 = vector.broadcast %add3A_294 : i32 to vector<16xi32>
      %add3A_296 = arith.addi %mul3A_32, %add3A_295 : vector<16xi32>
      %gather3A_297 = tpu.vector_load_idx %arg6[%add3A_296] : memref<2048xi32, #tpu.memory_space<vmem>>[vector<16xi32>], vector<16xi32>,
      %gather3A_298 = tpu.vector_load_idx %arg5[%gather3A_297] : memref<100000xf32, #tpu.memory_space<vmem>>[vector<16xi32>], vector<16xf32>,
      %max3A_299 = arith.maximumf %max3A_293, %gather3A_298 : vector<16xf32>
      %add3A_300 = arith.constant 45 : i32
      %add3A_301 = vector.broadcast %add3A_300 : i32 to vector<16xi32>
      %add3A_302 = arith.addi %mul3A_32, %add3A_301 : vector<16xi32>
      %gather3A_303 = tpu.vector_load_idx %arg6[%add3A_302] : memref<2048xi32, #tpu.memory_space<vmem>>[vector<16xi32>], vector<16xi32>,
      %gather3A_304 = tpu.vector_load_idx %arg5[%gather3A_303] : memref<100000xf32, #tpu.memory_space<vmem>>[vector<16xi32>], vector<16xf32>,
      %max3A_305 = arith.maximumf %max3A_299, %gather3A_304 : vector<16xf32>
      %add3A_306 = arith.constant 46 : i32
      %add3A_307 = vector.broadcast %add3A_306 : i32 to vector<16xi32>
      %add3A_308 = arith.addi %mul3A_32, %add3A_307 : vector<16xi32>
      %gather3A_309 = tpu.vector_load_idx %arg6[%add3A_308] : memref<2048xi32, #tpu.memory_space<vmem>>[vector<16xi32>], vector<16xi32>,
      %gather3A_310 = tpu.vector_load_idx %arg5[%gather3A_309] : memref<100000xf32, #tpu.memory_space<vmem>>[vector<16xi32>], vector<16xf32>,
      %max3A_311 = arith.maximumf %max3A_305, %gather3A_310 : vector<16xf32>
      %add3A_312 = arith.constant 47 : i32
      %add3A_313 = vector.broadcast %add3A_312 : i32 to vector<16xi32>
      %add3A_314 = arith.addi %mul3A_32, %add3A_313 : vector<16xi32>
      %gather3A_315 = tpu.vector_load_idx %arg6[%add3A_314] : memref<2048xi32, #tpu.memory_space<vmem>>[vector<16xi32>], vector<16xi32>,
      %gather3A_316 = tpu.vector_load_idx %arg5[%gather3A_315] : memref<100000xf32, #tpu.memory_space<vmem>>[vector<16xi32>], vector<16xf32>,
      %max3A_317 = arith.maximumf %max3A_311, %gather3A_316 : vector<16xf32>
      %add3A_318 = arith.constant 48 : i32
      %add3A_319 = vector.broadcast %add3A_318 : i32 to vector<16xi32>
      %add3A_320 = arith.addi %mul3A_32, %add3A_319 : vector<16xi32>
      %gather3A_321 = tpu.vector_load_idx %arg6[%add3A_320] : memref<2048xi32, #tpu.memory_space<vmem>>[vector<16xi32>], vector<16xi32>,
      %gather3A_322 = tpu.vector_load_idx %arg5[%gather3A_321] : memref<100000xf32, #tpu.memory_space<vmem>>[vector<16xi32>], vector<16xf32>,
      %max3A_323 = arith.maximumf %max3A_317, %gather3A_322 : vector<16xf32>
      %add3A_324 = arith.constant 49 : i32
      %add3A_325 = vector.broadcast %add3A_324 : i32 to vector<16xi32>
      %add3A_326 = arith.addi %mul3A_32, %add3A_325 : vector<16xi32>
      %gather3A_327 = tpu.vector_load_idx %arg6[%add3A_326] : memref<2048xi32, #tpu.memory_space<vmem>>[vector<16xi32>], vector<16xi32>,
      %gather3A_328 = tpu.vector_load_idx %arg5[%gather3A_327] : memref<100000xf32, #tpu.memory_space<vmem>>[vector<16xi32>], vector<16xf32>,
      %max3A_329 = arith.maximumf %max3A_323, %gather3A_328 : vector<16xf32>
      %add3A_330 = arith.constant 50 : i32
      %add3A_331 = vector.broadcast %add3A_330 : i32 to vector<16xi32>
      %add3A_332 = arith.addi %mul3A_32, %add3A_331 : vector<16xi32>
      %gather3A_333 = tpu.vector_load_idx %arg6[%add3A_332] : memref<2048xi32, #tpu.memory_space<vmem>>[vector<16xi32>], vector<16xi32>,
      %gather3A_334 = tpu.vector_load_idx %arg5[%gather3A_333] : memref<100000xf32, #tpu.memory_space<vmem>>[vector<16xi32>], vector<16xf32>,
      %max3A_335 = arith.maximumf %max3A_329, %gather3A_334 : vector<16xf32>
      %add3A_336 = arith.constant 51 : i32
      %add3A_337 = vector.broadcast %add3A_336 : i32 to vector<16xi32>
      %add3A_338 = arith.addi %mul3A_32, %add3A_337 : vector<16xi32>
      %gather3A_339 = tpu.vector_load_idx %arg6[%add3A_338] : memref<2048xi32, #tpu.memory_space<vmem>>[vector<16xi32>], vector<16xi32>,
      %gather3A_340 = tpu.vector_load_idx %arg5[%gather3A_339] : memref<100000xf32, #tpu.memory_space<vmem>>[vector<16xi32>], vector<16xf32>,
      %max3A_341 = arith.maximumf %max3A_335, %gather3A_340 : vector<16xf32>
      %add3A_342 = arith.constant 52 : i32
      %add3A_343 = vector.broadcast %add3A_342 : i32 to vector<16xi32>
      %add3A_344 = arith.addi %mul3A_32, %add3A_343 : vector<16xi32>
      %gather3A_345 = tpu.vector_load_idx %arg6[%add3A_344] : memref<2048xi32, #tpu.memory_space<vmem>>[vector<16xi32>], vector<16xi32>,
      %gather3A_346 = tpu.vector_load_idx %arg5[%gather3A_345] : memref<100000xf32, #tpu.memory_space<vmem>>[vector<16xi32>], vector<16xf32>,
      %max3A_347 = arith.maximumf %max3A_341, %gather3A_346 : vector<16xf32>
      %add3A_348 = arith.constant 53 : i32
      %add3A_349 = vector.broadcast %add3A_348 : i32 to vector<16xi32>
      %add3A_350 = arith.addi %mul3A_32, %add3A_349 : vector<16xi32>
      %gather3A_351 = tpu.vector_load_idx %arg6[%add3A_350] : memref<2048xi32, #tpu.memory_space<vmem>>[vector<16xi32>], vector<16xi32>,
      %gather3A_352 = tpu.vector_load_idx %arg5[%gather3A_351] : memref<100000xf32, #tpu.memory_space<vmem>>[vector<16xi32>], vector<16xf32>,
      %max3A_353 = arith.maximumf %max3A_347, %gather3A_352 : vector<16xf32>
      %add3A_354 = arith.constant 54 : i32
      %add3A_355 = vector.broadcast %add3A_354 : i32 to vector<16xi32>
      %add3A_356 = arith.addi %mul3A_32, %add3A_355 : vector<16xi32>
      %gather3A_357 = tpu.vector_load_idx %arg6[%add3A_356] : memref<2048xi32, #tpu.memory_space<vmem>>[vector<16xi32>], vector<16xi32>,
      %gather3A_358 = tpu.vector_load_idx %arg5[%gather3A_357] : memref<100000xf32, #tpu.memory_space<vmem>>[vector<16xi32>], vector<16xf32>,
      %max3A_359 = arith.maximumf %max3A_353, %gather3A_358 : vector<16xf32>
      %add3A_360 = arith.constant 55 : i32
      %add3A_361 = vector.broadcast %add3A_360 : i32 to vector<16xi32>
      %add3A_362 = arith.addi %mul3A_32, %add3A_361 : vector<16xi32>
      %gather3A_363 = tpu.vector_load_idx %arg6[%add3A_362] : memref<2048xi32, #tpu.memory_space<vmem>>[vector<16xi32>], vector<16xi32>,
      %gather3A_364 = tpu.vector_load_idx %arg5[%gather3A_363] : memref<100000xf32, #tpu.memory_space<vmem>>[vector<16xi32>], vector<16xf32>,
      %max3A_365 = arith.maximumf %max3A_359, %gather3A_364 : vector<16xf32>
      %add3A_366 = arith.constant 56 : i32
      %add3A_367 = vector.broadcast %add3A_366 : i32 to vector<16xi32>
      %add3A_368 = arith.addi %mul3A_32, %add3A_367 : vector<16xi32>
      %gather3A_369 = tpu.vector_load_idx %arg6[%add3A_368] : memref<2048xi32, #tpu.memory_space<vmem>>[vector<16xi32>], vector<16xi32>,
      %gather3A_370 = tpu.vector_load_idx %arg5[%gather3A_369] : memref<100000xf32, #tpu.memory_space<vmem>>[vector<16xi32>], vector<16xf32>,
      %max3A_371 = arith.maximumf %max3A_365, %gather3A_370 : vector<16xf32>
      %add3A_372 = arith.constant 57 : i32
      %add3A_373 = vector.broadcast %add3A_372 : i32 to vector<16xi32>
      %add3A_374 = arith.addi %mul3A_32, %add3A_373 : vector<16xi32>
      %gather3A_375 = tpu.vector_load_idx %arg6[%add3A_374] : memref<2048xi32, #tpu.memory_space<vmem>>[vector<16xi32>], vector<16xi32>,
      %gather3A_376 = tpu.vector_load_idx %arg5[%gather3A_375] : memref<100000xf32, #tpu.memory_space<vmem>>[vector<16xi32>], vector<16xf32>,
      %max3A_377 = arith.maximumf %max3A_371, %gather3A_376 : vector<16xf32>
      %add3A_378 = arith.constant 58 : i32
      %add3A_379 = vector.broadcast %add3A_378 : i32 to vector<16xi32>
      %add3A_380 = arith.addi %mul3A_32, %add3A_379 : vector<16xi32>
      %gather3A_381 = tpu.vector_load_idx %arg6[%add3A_380] : memref<2048xi32, #tpu.memory_space<vmem>>[vector<16xi32>], vector<16xi32>,
      %gather3A_382 = tpu.vector_load_idx %arg5[%gather3A_381] : memref<100000xf32, #tpu.memory_space<vmem>>[vector<16xi32>], vector<16xf32>,
      %max3A_383 = arith.maximumf %max3A_377, %gather3A_382 : vector<16xf32>
      %add3A_384 = arith.constant 59 : i32
      %add3A_385 = vector.broadcast %add3A_384 : i32 to vector<16xi32>
      %add3A_386 = arith.addi %mul3A_32, %add3A_385 : vector<16xi32>
      %gather3A_387 = tpu.vector_load_idx %arg6[%add3A_386] : memref<2048xi32, #tpu.memory_space<vmem>>[vector<16xi32>], vector<16xi32>,
      %gather3A_388 = tpu.vector_load_idx %arg5[%gather3A_387] : memref<100000xf32, #tpu.memory_space<vmem>>[vector<16xi32>], vector<16xf32>,
      %max3A_389 = arith.maximumf %max3A_383, %gather3A_388 : vector<16xf32>
      %add3A_390 = arith.constant 60 : i32
      %add3A_391 = vector.broadcast %add3A_390 : i32 to vector<16xi32>
      %add3A_392 = arith.addi %mul3A_32, %add3A_391 : vector<16xi32>
      %gather3A_393 = tpu.vector_load_idx %arg6[%add3A_392] : memref<2048xi32, #tpu.memory_space<vmem>>[vector<16xi32>], vector<16xi32>,
      %gather3A_394 = tpu.vector_load_idx %arg5[%gather3A_393] : memref<100000xf32, #tpu.memory_space<vmem>>[vector<16xi32>], vector<16xf32>,
      %max3A_395 = arith.maximumf %max3A_389, %gather3A_394 : vector<16xf32>
      %add3A_396 = arith.constant 61 : i32
      %add3A_397 = vector.broadcast %add3A_396 : i32 to vector<16xi32>
      %add3A_398 = arith.addi %mul3A_32, %add3A_397 : vector<16xi32>
      %gather3A_399 = tpu.vector_load_idx %arg6[%add3A_398] : memref<2048xi32, #tpu.memory_space<vmem>>[vector<16xi32>], vector<16xi32>,
      %gather3A_400 = tpu.vector_load_idx %arg5[%gather3A_399] : memref<100000xf32, #tpu.memory_space<vmem>>[vector<16xi32>], vector<16xf32>,
      %max3A_401 = arith.maximumf %max3A_395, %gather3A_400 : vector<16xf32>
      %add3A_402 = arith.constant 62 : i32
      %add3A_403 = vector.broadcast %add3A_402 : i32 to vector<16xi32>
      %add3A_404 = arith.addi %mul3A_32, %add3A_403 : vector<16xi32>
      %gather3A_405 = tpu.vector_load_idx %arg6[%add3A_404] : memref<2048xi32, #tpu.memory_space<vmem>>[vector<16xi32>], vector<16xi32>,
      %gather3A_406 = tpu.vector_load_idx %arg5[%gather3A_405] : memref<100000xf32, #tpu.memory_space<vmem>>[vector<16xi32>], vector<16xf32>,
      %max3A_407 = arith.maximumf %max3A_401, %gather3A_406 : vector<16xf32>
      %add3A_408 = arith.constant 63 : i32
      %add3A_409 = vector.broadcast %add3A_408 : i32 to vector<16xi32>
      %add3A_410 = arith.addi %mul3A_32, %add3A_409 : vector<16xi32>
      %gather3A_411 = tpu.vector_load_idx %arg6[%add3A_410] : memref<2048xi32, #tpu.memory_space<vmem>>[vector<16xi32>], vector<16xi32>,
      %gather3A_412 = tpu.vector_load_idx %arg5[%gather3A_411] : memref<100000xf32, #tpu.memory_space<vmem>>[vector<16xi32>], vector<16xf32>,
      %max3A_413 = arith.maximumf %max3A_407, %gather3A_412 : vector<16xf32>
      %sub3A = arith.subf %get3A_38, %max3A_413 : vector<16xf32>
      %mul3A_414 = arith.constant 32 : i32
      %mul3A_415 = arith.muli %while3A_21, %mul3A_414 : i32
      %add3A_416 = arith.constant 0 : i32
      %add3A_417 = arith.addi %mul3A_415, %add3A_416 : i32
      %swap3A = arith.index_cast %add3A_417 : i32 to index
      %swap3A_418 = tpu.vector_load %arg7[%swap3A] {strides = array<i32>} : memref<3136xf32, #tpu.memory_space<vmem>>, vector<16xf32>,
      tpu.vector_store %arg7[%swap3A], %sub3A {strides = array<i32>} : memref<3136xf32, #tpu.memory_space<vmem>>, vector<16xf32>,
      %add3A_419 = arith.constant 16 : i32
      %add3A_420 = vector.broadcast %add3A_419 : i32 to vector<16xi32>
      %add3A_421 = arith.addi %iota3A, %add3A_420 : vector<16xi32>
      %mul3A_422 = arith.constant 64 : i32
      %mul3A_423 = vector.broadcast %mul3A_422 : i32 to vector<16xi32>
      %mul3A_424 = arith.muli %add3A_421, %mul3A_423 : vector<16xi32>
      %mul3A_425 = arith.constant 32 : i32
      %mul3A_426 = arith.muli %while3A_21, %mul3A_425 : i32
      %add3A_427 = arith.addi %mul3A_2, %mul3A_426 : i32
      %add3A_428 = arith.constant 16 : i32
      %add3A_429 = arith.addi %add3A_427, %add3A_428 : i32
      %get3A_430 = arith.index_cast %add3A_429 : i32 to index
      %get3A_431 = tpu.vector_load %arg5[%get3A_430] {strides = array<i32>} : memref<100000xf32, #tpu.memory_space<vmem>>, vector<16xf32>,
      %add3A_432 = arith.constant 1 : i32
      %add3A_433 = vector.broadcast %add3A_432 : i32 to vector<16xi32>
      %add3A_434 = arith.addi %mul3A_424, %add3A_433 : vector<16xi32>
      %gather3A_435 = tpu.vector_load_idx %arg6[%add3A_434] : memref<2048xi32, #tpu.memory_space<vmem>>[vector<16xi32>], vector<16xi32>,
      %gather3A_436 = tpu.vector_load_idx %arg5[%gather3A_435] : memref<100000xf32, #tpu.memory_space<vmem>>[vector<16xi32>], vector<16xf32>,
      %add3A_437 = arith.constant 2 : i32
      %add3A_438 = vector.broadcast %add3A_437 : i32 to vector<16xi32>
      %add3A_439 = arith.addi %mul3A_424, %add3A_438 : vector<16xi32>
      %gather3A_440 = tpu.vector_load_idx %arg6[%add3A_439] : memref<2048xi32, #tpu.memory_space<vmem>>[vector<16xi32>], vector<16xi32>,
      %gather3A_441 = tpu.vector_load_idx %arg5[%gather3A_440] : memref<100000xf32, #tpu.memory_space<vmem>>[vector<16xi32>], vector<16xf32>,
      %max3A_442 = arith.maximumf %gather3A_436, %gather3A_441 : vector<16xf32>
      %add3A_443 = arith.constant 3 : i32
      %add3A_444 = vector.broadcast %add3A_443 : i32 to vector<16xi32>
      %add3A_445 = arith.addi %mul3A_424, %add3A_444 : vector<16xi32>
      %gather3A_446 = tpu.vector_load_idx %arg6[%add3A_445] : memref<2048xi32, #tpu.memory_space<vmem>>[vector<16xi32>], vector<16xi32>,
      %gather3A_447 = tpu.vector_load_idx %arg5[%gather3A_446] : memref<100000xf32, #tpu.memory_space<vmem>>[vector<16xi32>], vector<16xf32>,
      %max3A_448 = arith.maximumf %max3A_442, %gather3A_447 : vector<16xf32>
      %add3A_449 = arith.constant 4 : i32
      %add3A_450 = vector.broadcast %add3A_449 : i32 to vector<16xi32>
      %add3A_451 = arith.addi %mul3A_424, %add3A_450 : vector<16xi32>
      %gather3A_452 = tpu.vector_load_idx %arg6[%add3A_451] : memref<2048xi32, #tpu.memory_space<vmem>>[vector<16xi32>], vector<16xi32>,
      %gather3A_453 = tpu.vector_load_idx %arg5[%gather3A_452] : memref<100000xf32, #tpu.memory_space<vmem>>[vector<16xi32>], vector<16xf32>,
      %max3A_454 = arith.maximumf %max3A_448, %gather3A_453 : vector<16xf32>
      %add3A_455 = arith.constant 5 : i32
      %add3A_456 = vector.broadcast %add3A_455 : i32 to vector<16xi32>
      %add3A_457 = arith.addi %mul3A_424, %add3A_456 : vector<16xi32>
      %gather3A_458 = tpu.vector_load_idx %arg6[%add3A_457] : memref<2048xi32, #tpu.memory_space<vmem>>[vector<16xi32>], vector<16xi32>,
      %gather3A_459 = tpu.vector_load_idx %arg5[%gather3A_458] : memref<100000xf32, #tpu.memory_space<vmem>>[vector<16xi32>], vector<16xf32>,
      %max3A_460 = arith.maximumf %max3A_454, %gather3A_459 : vector<16xf32>
      %add3A_461 = arith.constant 6 : i32
      %add3A_462 = vector.broadcast %add3A_461 : i32 to vector<16xi32>
      %add3A_463 = arith.addi %mul3A_424, %add3A_462 : vector<16xi32>
      %gather3A_464 = tpu.vector_load_idx %arg6[%add3A_463] : memref<2048xi32, #tpu.memory_space<vmem>>[vector<16xi32>], vector<16xi32>,
      %gather3A_465 = tpu.vector_load_idx %arg5[%gather3A_464] : memref<100000xf32, #tpu.memory_space<vmem>>[vector<16xi32>], vector<16xf32>,
      %max3A_466 = arith.maximumf %max3A_460, %gather3A_465 : vector<16xf32>
      %add3A_467 = arith.constant 7 : i32
      %add3A_468 = vector.broadcast %add3A_467 : i32 to vector<16xi32>
      %add3A_469 = arith.addi %mul3A_424, %add3A_468 : vector<16xi32>
      %gather3A_470 = tpu.vector_load_idx %arg6[%add3A_469] : memref<2048xi32, #tpu.memory_space<vmem>>[vector<16xi32>], vector<16xi32>,
      %gather3A_471 = tpu.vector_load_idx %arg5[%gather3A_470] : memref<100000xf32, #tpu.memory_space<vmem>>[vector<16xi32>], vector<16xf32>,
      %max3A_472 = arith.maximumf %max3A_466, %gather3A_471 : vector<16xf32>
      %add3A_473 = arith.constant 8 : i32
      %add3A_474 = vector.broadcast %add3A_473 : i32 to vector<16xi32>
      %add3A_475 = arith.addi %mul3A_424, %add3A_474 : vector<16xi32>
      %gather3A_476 = tpu.vector_load_idx %arg6[%add3A_475] : memref<2048xi32, #tpu.memory_space<vmem>>[vector<16xi32>], vector<16xi32>,
      %gather3A_477 = tpu.vector_load_idx %arg5[%gather3A_476] : memref<100000xf32, #tpu.memory_space<vmem>>[vector<16xi32>], vector<16xf32>,
      %max3A_478 = arith.maximumf %max3A_472, %gather3A_477 : vector<16xf32>
      %add3A_479 = arith.constant 9 : i32
      %add3A_480 = vector.broadcast %add3A_479 : i32 to vector<16xi32>
      %add3A_481 = arith.addi %mul3A_424, %add3A_480 : vector<16xi32>
      %gather3A_482 = tpu.vector_load_idx %arg6[%add3A_481] : memref<2048xi32, #tpu.memory_space<vmem>>[vector<16xi32>], vector<16xi32>,
      %gather3A_483 = tpu.vector_load_idx %arg5[%gather3A_482] : memref<100000xf32, #tpu.memory_space<vmem>>[vector<16xi32>], vector<16xf32>,
      %max3A_484 = arith.maximumf %max3A_478, %gather3A_483 : vector<16xf32>
      %add3A_485 = arith.constant 10 : i32
      %add3A_486 = vector.broadcast %add3A_485 : i32 to vector<16xi32>
      %add3A_487 = arith.addi %mul3A_424, %add3A_486 : vector<16xi32>
      %gather3A_488 = tpu.vector_load_idx %arg6[%add3A_487] : memref<2048xi32, #tpu.memory_space<vmem>>[vector<16xi32>], vector<16xi32>,
      %gather3A_489 = tpu.vector_load_idx %arg5[%gather3A_488] : memref<100000xf32, #tpu.memory_space<vmem>>[vector<16xi32>], vector<16xf32>,
      %max3A_490 = arith.maximumf %max3A_484, %gather3A_489 : vector<16xf32>
      %add3A_491 = arith.constant 11 : i32
      %add3A_492 = vector.broadcast %add3A_491 : i32 to vector<16xi32>
      %add3A_493 = arith.addi %mul3A_424, %add3A_492 : vector<16xi32>
      %gather3A_494 = tpu.vector_load_idx %arg6[%add3A_493] : memref<2048xi32, #tpu.memory_space<vmem>>[vector<16xi32>], vector<16xi32>,
      %gather3A_495 = tpu.vector_load_idx %arg5[%gather3A_494] : memref<100000xf32, #tpu.memory_space<vmem>>[vector<16xi32>], vector<16xf32>,
      %max3A_496 = arith.maximumf %max3A_490, %gather3A_495 : vector<16xf32>
      %add3A_497 = arith.constant 12 : i32
      %add3A_498 = vector.broadcast %add3A_497 : i32 to vector<16xi32>
      %add3A_499 = arith.addi %mul3A_424, %add3A_498 : vector<16xi32>
      %gather3A_500 = tpu.vector_load_idx %arg6[%add3A_499] : memref<2048xi32, #tpu.memory_space<vmem>>[vector<16xi32>], vector<16xi32>,
      %gather3A_501 = tpu.vector_load_idx %arg5[%gather3A_500] : memref<100000xf32, #tpu.memory_space<vmem>>[vector<16xi32>], vector<16xf32>,
      %max3A_502 = arith.maximumf %max3A_496, %gather3A_501 : vector<16xf32>
      %add3A_503 = arith.constant 13 : i32
      %add3A_504 = vector.broadcast %add3A_503 : i32 to vector<16xi32>
      %add3A_505 = arith.addi %mul3A_424, %add3A_504 : vector<16xi32>
      %gather3A_506 = tpu.vector_load_idx %arg6[%add3A_505] : memref<2048xi32, #tpu.memory_space<vmem>>[vector<16xi32>], vector<16xi32>,
      %gather3A_507 = tpu.vector_load_idx %arg5[%gather3A_506] : memref<100000xf32, #tpu.memory_space<vmem>>[vector<16xi32>], vector<16xf32>,
      %max3A_508 = arith.maximumf %max3A_502, %gather3A_507 : vector<16xf32>
      %add3A_509 = arith.constant 14 : i32
      %add3A_510 = vector.broadcast %add3A_509 : i32 to vector<16xi32>
      %add3A_511 = arith.addi %mul3A_424, %add3A_510 : vector<16xi32>
      %gather3A_512 = tpu.vector_load_idx %arg6[%add3A_511] : memref<2048xi32, #tpu.memory_space<vmem>>[vector<16xi32>], vector<16xi32>,
      %gather3A_513 = tpu.vector_load_idx %arg5[%gather3A_512] : memref<100000xf32, #tpu.memory_space<vmem>>[vector<16xi32>], vector<16xf32>,
      %max3A_514 = arith.maximumf %max3A_508, %gather3A_513 : vector<16xf32>
      %add3A_515 = arith.constant 15 : i32
      %add3A_516 = vector.broadcast %add3A_515 : i32 to vector<16xi32>
      %add3A_517 = arith.addi %mul3A_424, %add3A_516 : vector<16xi32>
      %gather3A_518 = tpu.vector_load_idx %arg6[%add3A_517] : memref<2048xi32, #tpu.memory_space<vmem>>[vector<16xi32>], vector<16xi32>,
      %gather3A_519 = tpu.vector_load_idx %arg5[%gather3A_518] : memref<100000xf32, #tpu.memory_space<vmem>>[vector<16xi32>], vector<16xf32>,
      %max3A_520 = arith.maximumf %max3A_514, %gather3A_519 : vector<16xf32>
      %add3A_521 = arith.constant 16 : i32
      %add3A_522 = vector.broadcast %add3A_521 : i32 to vector<16xi32>
      %add3A_523 = arith.addi %mul3A_424, %add3A_522 : vector<16xi32>
      %gather3A_524 = tpu.vector_load_idx %arg6[%add3A_523] : memref<2048xi32, #tpu.memory_space<vmem>>[vector<16xi32>], vector<16xi32>,
      %gather3A_525 = tpu.vector_load_idx %arg5[%gather3A_524] : memref<100000xf32, #tpu.memory_space<vmem>>[vector<16xi32>], vector<16xf32>,
      %max3A_526 = arith.maximumf %max3A_520, %gather3A_525 : vector<16xf32>
      %add3A_527 = arith.constant 17 : i32
      %add3A_528 = vector.broadcast %add3A_527 : i32 to vector<16xi32>
      %add3A_529 = arith.addi %mul3A_424, %add3A_528 : vector<16xi32>
      %gather3A_530 = tpu.vector_load_idx %arg6[%add3A_529] : memref<2048xi32, #tpu.memory_space<vmem>>[vector<16xi32>], vector<16xi32>,
      %gather3A_531 = tpu.vector_load_idx %arg5[%gather3A_530] : memref<100000xf32, #tpu.memory_space<vmem>>[vector<16xi32>], vector<16xf32>,
      %max3A_532 = arith.maximumf %max3A_526, %gather3A_531 : vector<16xf32>
      %add3A_533 = arith.constant 18 : i32
      %add3A_534 = vector.broadcast %add3A_533 : i32 to vector<16xi32>
      %add3A_535 = arith.addi %mul3A_424, %add3A_534 : vector<16xi32>
      %gather3A_536 = tpu.vector_load_idx %arg6[%add3A_535] : memref<2048xi32, #tpu.memory_space<vmem>>[vector<16xi32>], vector<16xi32>,
      %gather3A_537 = tpu.vector_load_idx %arg5[%gather3A_536] : memref<100000xf32, #tpu.memory_space<vmem>>[vector<16xi32>], vector<16xf32>,
      %max3A_538 = arith.maximumf %max3A_532, %gather3A_537 : vector<16xf32>
      %add3A_539 = arith.constant 19 : i32
      %add3A_540 = vector.broadcast %add3A_539 : i32 to vector<16xi32>
      %add3A_541 = arith.addi %mul3A_424, %add3A_540 : vector<16xi32>
      %gather3A_542 = tpu.vector_load_idx %arg6[%add3A_541] : memref<2048xi32, #tpu.memory_space<vmem>>[vector<16xi32>], vector<16xi32>,
      %gather3A_543 = tpu.vector_load_idx %arg5[%gather3A_542] : memref<100000xf32, #tpu.memory_space<vmem>>[vector<16xi32>], vector<16xf32>,
      %max3A_544 = arith.maximumf %max3A_538, %gather3A_543 : vector<16xf32>
      %add3A_545 = arith.constant 20 : i32
      %add3A_546 = vector.broadcast %add3A_545 : i32 to vector<16xi32>
      %add3A_547 = arith.addi %mul3A_424, %add3A_546 : vector<16xi32>
      %gather3A_548 = tpu.vector_load_idx %arg6[%add3A_547] : memref<2048xi32, #tpu.memory_space<vmem>>[vector<16xi32>], vector<16xi32>,
      %gather3A_549 = tpu.vector_load_idx %arg5[%gather3A_548] : memref<100000xf32, #tpu.memory_space<vmem>>[vector<16xi32>], vector<16xf32>,
      %max3A_550 = arith.maximumf %max3A_544, %gather3A_549 : vector<16xf32>
      %add3A_551 = arith.constant 21 : i32
      %add3A_552 = vector.broadcast %add3A_551 : i32 to vector<16xi32>
      %add3A_553 = arith.addi %mul3A_424, %add3A_552 : vector<16xi32>
      %gather3A_554 = tpu.vector_load_idx %arg6[%add3A_553] : memref<2048xi32, #tpu.memory_space<vmem>>[vector<16xi32>], vector<16xi32>,
      %gather3A_555 = tpu.vector_load_idx %arg5[%gather3A_554] : memref<100000xf32, #tpu.memory_space<vmem>>[vector<16xi32>], vector<16xf32>,
      %max3A_556 = arith.maximumf %max3A_550, %gather3A_555 : vector<16xf32>
      %add3A_557 = arith.constant 22 : i32
      %add3A_558 = vector.broadcast %add3A_557 : i32 to vector<16xi32>
      %add3A_559 = arith.addi %mul3A_424, %add3A_558 : vector<16xi32>
      %gather3A_560 = tpu.vector_load_idx %arg6[%add3A_559] : memref<2048xi32, #tpu.memory_space<vmem>>[vector<16xi32>], vector<16xi32>,
      %gather3A_561 = tpu.vector_load_idx %arg5[%gather3A_560] : memref<100000xf32, #tpu.memory_space<vmem>>[vector<16xi32>], vector<16xf32>,
      %max3A_562 = arith.maximumf %max3A_556, %gather3A_561 : vector<16xf32>
      %add3A_563 = arith.constant 23 : i32
      %add3A_564 = vector.broadcast %add3A_563 : i32 to vector<16xi32>
      %add3A_565 = arith.addi %mul3A_424, %add3A_564 : vector<16xi32>
      %gather3A_566 = tpu.vector_load_idx %arg6[%add3A_565] : memref<2048xi32, #tpu.memory_space<vmem>>[vector<16xi32>], vector<16xi32>,
      %gather3A_567 = tpu.vector_load_idx %arg5[%gather3A_566] : memref<100000xf32, #tpu.memory_space<vmem>>[vector<16xi32>], vector<16xf32>,
      %max3A_568 = arith.maximumf %max3A_562, %gather3A_567 : vector<16xf32>
      %add3A_569 = arith.constant 24 : i32
      %add3A_570 = vector.broadcast %add3A_569 : i32 to vector<16xi32>
      %add3A_571 = arith.addi %mul3A_424, %add3A_570 : vector<16xi32>
      %gather3A_572 = tpu.vector_load_idx %arg6[%add3A_571] : memref<2048xi32, #tpu.memory_space<vmem>>[vector<16xi32>], vector<16xi32>,
      %gather3A_573 = tpu.vector_load_idx %arg5[%gather3A_572] : memref<100000xf32, #tpu.memory_space<vmem>>[vector<16xi32>], vector<16xf32>,
      %max3A_574 = arith.maximumf %max3A_568, %gather3A_573 : vector<16xf32>
      %add3A_575 = arith.constant 25 : i32
      %add3A_576 = vector.broadcast %add3A_575 : i32 to vector<16xi32>
      %add3A_577 = arith.addi %mul3A_424, %add3A_576 : vector<16xi32>
      %gather3A_578 = tpu.vector_load_idx %arg6[%add3A_577] : memref<2048xi32, #tpu.memory_space<vmem>>[vector<16xi32>], vector<16xi32>,
      %gather3A_579 = tpu.vector_load_idx %arg5[%gather3A_578] : memref<100000xf32, #tpu.memory_space<vmem>>[vector<16xi32>], vector<16xf32>,
      %max3A_580 = arith.maximumf %max3A_574, %gather3A_579 : vector<16xf32>
      %add3A_581 = arith.constant 26 : i32
      %add3A_582 = vector.broadcast %add3A_581 : i32 to vector<16xi32>
      %add3A_583 = arith.addi %mul3A_424, %add3A_582 : vector<16xi32>
      %gather3A_584 = tpu.vector_load_idx %arg6[%add3A_583] : memref<2048xi32, #tpu.memory_space<vmem>>[vector<16xi32>], vector<16xi32>,
      %gather3A_585 = tpu.vector_load_idx %arg5[%gather3A_584] : memref<100000xf32, #tpu.memory_space<vmem>>[vector<16xi32>], vector<16xf32>,
      %max3A_586 = arith.maximumf %max3A_580, %gather3A_585 : vector<16xf32>
      %add3A_587 = arith.constant 27 : i32
      %add3A_588 = vector.broadcast %add3A_587 : i32 to vector<16xi32>
      %add3A_589 = arith.addi %mul3A_424, %add3A_588 : vector<16xi32>
      %gather3A_590 = tpu.vector_load_idx %arg6[%add3A_589] : memref<2048xi32, #tpu.memory_space<vmem>>[vector<16xi32>], vector<16xi32>,
      %gather3A_591 = tpu.vector_load_idx %arg5[%gather3A_590] : memref<100000xf32, #tpu.memory_space<vmem>>[vector<16xi32>], vector<16xf32>,
      %max3A_592 = arith.maximumf %max3A_586, %gather3A_591 : vector<16xf32>
      %add3A_593 = arith.constant 28 : i32
      %add3A_594 = vector.broadcast %add3A_593 : i32 to vector<16xi32>
      %add3A_595 = arith.addi %mul3A_424, %add3A_594 : vector<16xi32>
      %gather3A_596 = tpu.vector_load_idx %arg6[%add3A_595] : memref<2048xi32, #tpu.memory_space<vmem>>[vector<16xi32>], vector<16xi32>,
      %gather3A_597 = tpu.vector_load_idx %arg5[%gather3A_596] : memref<100000xf32, #tpu.memory_space<vmem>>[vector<16xi32>], vector<16xf32>,
      %max3A_598 = arith.maximumf %max3A_592, %gather3A_597 : vector<16xf32>
      %add3A_599 = arith.constant 29 : i32
      %add3A_600 = vector.broadcast %add3A_599 : i32 to vector<16xi32>
      %add3A_601 = arith.addi %mul3A_424, %add3A_600 : vector<16xi32>
      %gather3A_602 = tpu.vector_load_idx %arg6[%add3A_601] : memref<2048xi32, #tpu.memory_space<vmem>>[vector<16xi32>], vector<16xi32>,
      %gather3A_603 = tpu.vector_load_idx %arg5[%gather3A_602] : memref<100000xf32, #tpu.memory_space<vmem>>[vector<16xi32>], vector<16xf32>,
      %max3A_604 = arith.maximumf %max3A_598, %gather3A_603 : vector<16xf32>
      %add3A_605 = arith.constant 30 : i32
      %add3A_606 = vector.broadcast %add3A_605 : i32 to vector<16xi32>
      %add3A_607 = arith.addi %mul3A_424, %add3A_606 : vector<16xi32>
      %gather3A_608 = tpu.vector_load_idx %arg6[%add3A_607] : memref<2048xi32, #tpu.memory_space<vmem>>[vector<16xi32>], vector<16xi32>,
      %gather3A_609 = tpu.vector_load_idx %arg5[%gather3A_608] : memref<100000xf32, #tpu.memory_space<vmem>>[vector<16xi32>], vector<16xf32>,
      %max3A_610 = arith.maximumf %max3A_604, %gather3A_609 : vector<16xf32>
      %add3A_611 = arith.constant 31 : i32
      %add3A_612 = vector.broadcast %add3A_611 : i32 to vector<16xi32>
      %add3A_613 = arith.addi %mul3A_424, %add3A_612 : vector<16xi32>
      %gather3A_614 = tpu.vector_load_idx %arg6[%add3A_613] : memref<2048xi32, #tpu.memory_space<vmem>>[vector<16xi32>], vector<16xi32>,
      %gather3A_615 = tpu.vector_load_idx %arg5[%gather3A_614] : memref<100000xf32, #tpu.memory_space<vmem>>[vector<16xi32>], vector<16xf32>,
      %max3A_616 = arith.maximumf %max3A_610, %gather3A_615 : vector<16xf32>
      %add3A_617 = arith.constant 32 : i32
      %add3A_618 = vector.broadcast %add3A_617 : i32 to vector<16xi32>
      %add3A_619 = arith.addi %mul3A_424, %add3A_618 : vector<16xi32>
      %gather3A_620 = tpu.vector_load_idx %arg6[%add3A_619] : memref<2048xi32, #tpu.memory_space<vmem>>[vector<16xi32>], vector<16xi32>,
      %gather3A_621 = tpu.vector_load_idx %arg5[%gather3A_620] : memref<100000xf32, #tpu.memory_space<vmem>>[vector<16xi32>], vector<16xf32>,
      %max3A_622 = arith.maximumf %max3A_616, %gather3A_621 : vector<16xf32>
      %add3A_623 = arith.constant 33 : i32
      %add3A_624 = vector.broadcast %add3A_623 : i32 to vector<16xi32>
      %add3A_625 = arith.addi %mul3A_424, %add3A_624 : vector<16xi32>
      %gather3A_626 = tpu.vector_load_idx %arg6[%add3A_625] : memref<2048xi32, #tpu.memory_space<vmem>>[vector<16xi32>], vector<16xi32>,
      %gather3A_627 = tpu.vector_load_idx %arg5[%gather3A_626] : memref<100000xf32, #tpu.memory_space<vmem>>[vector<16xi32>], vector<16xf32>,
      %max3A_628 = arith.maximumf %max3A_622, %gather3A_627 : vector<16xf32>
      %add3A_629 = arith.constant 34 : i32
      %add3A_630 = vector.broadcast %add3A_629 : i32 to vector<16xi32>
      %add3A_631 = arith.addi %mul3A_424, %add3A_630 : vector<16xi32>
      %gather3A_632 = tpu.vector_load_idx %arg6[%add3A_631] : memref<2048xi32, #tpu.memory_space<vmem>>[vector<16xi32>], vector<16xi32>,
      %gather3A_633 = tpu.vector_load_idx %arg5[%gather3A_632] : memref<100000xf32, #tpu.memory_space<vmem>>[vector<16xi32>], vector<16xf32>,
      %max3A_634 = arith.maximumf %max3A_628, %gather3A_633 : vector<16xf32>
      %add3A_635 = arith.constant 35 : i32
      %add3A_636 = vector.broadcast %add3A_635 : i32 to vector<16xi32>
      %add3A_637 = arith.addi %mul3A_424, %add3A_636 : vector<16xi32>
      %gather3A_638 = tpu.vector_load_idx %arg6[%add3A_637] : memref<2048xi32, #tpu.memory_space<vmem>>[vector<16xi32>], vector<16xi32>,
      %gather3A_639 = tpu.vector_load_idx %arg5[%gather3A_638] : memref<100000xf32, #tpu.memory_space<vmem>>[vector<16xi32>], vector<16xf32>,
      %max3A_640 = arith.maximumf %max3A_634, %gather3A_639 : vector<16xf32>
      %add3A_641 = arith.constant 36 : i32
      %add3A_642 = vector.broadcast %add3A_641 : i32 to vector<16xi32>
      %add3A_643 = arith.addi %mul3A_424, %add3A_642 : vector<16xi32>
      %gather3A_644 = tpu.vector_load_idx %arg6[%add3A_643] : memref<2048xi32, #tpu.memory_space<vmem>>[vector<16xi32>], vector<16xi32>,
      %gather3A_645 = tpu.vector_load_idx %arg5[%gather3A_644] : memref<100000xf32, #tpu.memory_space<vmem>>[vector<16xi32>], vector<16xf32>,
      %max3A_646 = arith.maximumf %max3A_640, %gather3A_645 : vector<16xf32>
      %add3A_647 = arith.constant 37 : i32
      %add3A_648 = vector.broadcast %add3A_647 : i32 to vector<16xi32>
      %add3A_649 = arith.addi %mul3A_424, %add3A_648 : vector<16xi32>
      %gather3A_650 = tpu.vector_load_idx %arg6[%add3A_649] : memref<2048xi32, #tpu.memory_space<vmem>>[vector<16xi32>], vector<16xi32>,
      %gather3A_651 = tpu.vector_load_idx %arg5[%gather3A_650] : memref<100000xf32, #tpu.memory_space<vmem>>[vector<16xi32>], vector<16xf32>,
      %max3A_652 = arith.maximumf %max3A_646, %gather3A_651 : vector<16xf32>
      %add3A_653 = arith.constant 38 : i32
      %add3A_654 = vector.broadcast %add3A_653 : i32 to vector<16xi32>
      %add3A_655 = arith.addi %mul3A_424, %add3A_654 : vector<16xi32>
      %gather3A_656 = tpu.vector_load_idx %arg6[%add3A_655] : memref<2048xi32, #tpu.memory_space<vmem>>[vector<16xi32>], vector<16xi32>,
      %gather3A_657 = tpu.vector_load_idx %arg5[%gather3A_656] : memref<100000xf32, #tpu.memory_space<vmem>>[vector<16xi32>], vector<16xf32>,
      %max3A_658 = arith.maximumf %max3A_652, %gather3A_657 : vector<16xf32>
      %add3A_659 = arith.constant 39 : i32
      %add3A_660 = vector.broadcast %add3A_659 : i32 to vector<16xi32>
      %add3A_661 = arith.addi %mul3A_424, %add3A_660 : vector<16xi32>
      %gather3A_662 = tpu.vector_load_idx %arg6[%add3A_661] : memref<2048xi32, #tpu.memory_space<vmem>>[vector<16xi32>], vector<16xi32>,
      %gather3A_663 = tpu.vector_load_idx %arg5[%gather3A_662] : memref<100000xf32, #tpu.memory_space<vmem>>[vector<16xi32>], vector<16xf32>,
      %max3A_664 = arith.maximumf %max3A_658, %gather3A_663 : vector<16xf32>
      %add3A_665 = arith.constant 40 : i32
      %add3A_666 = vector.broadcast %add3A_665 : i32 to vector<16xi32>
      %add3A_667 = arith.addi %mul3A_424, %add3A_666 : vector<16xi32>
      %gather3A_668 = tpu.vector_load_idx %arg6[%add3A_667] : memref<2048xi32, #tpu.memory_space<vmem>>[vector<16xi32>], vector<16xi32>,
      %gather3A_669 = tpu.vector_load_idx %arg5[%gather3A_668] : memref<100000xf32, #tpu.memory_space<vmem>>[vector<16xi32>], vector<16xf32>,
      %max3A_670 = arith.maximumf %max3A_664, %gather3A_669 : vector<16xf32>
      %add3A_671 = arith.constant 41 : i32
      %add3A_672 = vector.broadcast %add3A_671 : i32 to vector<16xi32>
      %add3A_673 = arith.addi %mul3A_424, %add3A_672 : vector<16xi32>
      %gather3A_674 = tpu.vector_load_idx %arg6[%add3A_673] : memref<2048xi32, #tpu.memory_space<vmem>>[vector<16xi32>], vector<16xi32>,
      %gather3A_675 = tpu.vector_load_idx %arg5[%gather3A_674] : memref<100000xf32, #tpu.memory_space<vmem>>[vector<16xi32>], vector<16xf32>,
      %max3A_676 = arith.maximumf %max3A_670, %gather3A_675 : vector<16xf32>
      %add3A_677 = arith.constant 42 : i32
      %add3A_678 = vector.broadcast %add3A_677 : i32 to vector<16xi32>
      %add3A_679 = arith.addi %mul3A_424, %add3A_678 : vector<16xi32>
      %gather3A_680 = tpu.vector_load_idx %arg6[%add3A_679] : memref<2048xi32, #tpu.memory_space<vmem>>[vector<16xi32>], vector<16xi32>,
      %gather3A_681 = tpu.vector_load_idx %arg5[%gather3A_680] : memref<100000xf32, #tpu.memory_space<vmem>>[vector<16xi32>], vector<16xf32>,
      %max3A_682 = arith.maximumf %max3A_676, %gather3A_681 : vector<16xf32>
      %add3A_683 = arith.constant 43 : i32
      %add3A_684 = vector.broadcast %add3A_683 : i32 to vector<16xi32>
      %add3A_685 = arith.addi %mul3A_424, %add3A_684 : vector<16xi32>
      %gather3A_686 = tpu.vector_load_idx %arg6[%add3A_685] : memref<2048xi32, #tpu.memory_space<vmem>>[vector<16xi32>], vector<16xi32>,
      %gather3A_687 = tpu.vector_load_idx %arg5[%gather3A_686] : memref<100000xf32, #tpu.memory_space<vmem>>[vector<16xi32>], vector<16xf32>,
      %max3A_688 = arith.maximumf %max3A_682, %gather3A_687 : vector<16xf32>
      %add3A_689 = arith.constant 44 : i32
      %add3A_690 = vector.broadcast %add3A_689 : i32 to vector<16xi32>
      %add3A_691 = arith.addi %mul3A_424, %add3A_690 : vector<16xi32>
      %gather3A_692 = tpu.vector_load_idx %arg6[%add3A_691] : memref<2048xi32, #tpu.memory_space<vmem>>[vector<16xi32>], vector<16xi32>,
      %gather3A_693 = tpu.vector_load_idx %arg5[%gather3A_692] : memref<100000xf32, #tpu.memory_space<vmem>>[vector<16xi32>], vector<16xf32>,
      %max3A_694 = arith.maximumf %max3A_688, %gather3A_693 : vector<16xf32>
      %add3A_695 = arith.constant 45 : i32
      %add3A_696 = vector.broadcast %add3A_695 : i32 to vector<16xi32>
      %add3A_697 = arith.addi %mul3A_424, %add3A_696 : vector<16xi32>
      %gather3A_698 = tpu.vector_load_idx %arg6[%add3A_697] : memref<2048xi32, #tpu.memory_space<vmem>>[vector<16xi32>], vector<16xi32>,
      %gather3A_699 = tpu.vector_load_idx %arg5[%gather3A_698] : memref<100000xf32, #tpu.memory_space<vmem>>[vector<16xi32>], vector<16xf32>,
      %max3A_700 = arith.maximumf %max3A_694, %gather3A_699 : vector<16xf32>
      %add3A_701 = arith.constant 46 : i32
      %add3A_702 = vector.broadcast %add3A_701 : i32 to vector<16xi32>
      %add3A_703 = arith.addi %mul3A_424, %add3A_702 : vector<16xi32>
      %gather3A_704 = tpu.vector_load_idx %arg6[%add3A_703] : memref<2048xi32, #tpu.memory_space<vmem>>[vector<16xi32>], vector<16xi32>,
      %gather3A_705 = tpu.vector_load_idx %arg5[%gather3A_704] : memref<100000xf32, #tpu.memory_space<vmem>>[vector<16xi32>], vector<16xf32>,
      %max3A_706 = arith.maximumf %max3A_700, %gather3A_705 : vector<16xf32>
      %add3A_707 = arith.constant 47 : i32
      %add3A_708 = vector.broadcast %add3A_707 : i32 to vector<16xi32>
      %add3A_709 = arith.addi %mul3A_424, %add3A_708 : vector<16xi32>
      %gather3A_710 = tpu.vector_load_idx %arg6[%add3A_709] : memref<2048xi32, #tpu.memory_space<vmem>>[vector<16xi32>], vector<16xi32>,
      %gather3A_711 = tpu.vector_load_idx %arg5[%gather3A_710] : memref<100000xf32, #tpu.memory_space<vmem>>[vector<16xi32>], vector<16xf32>,
      %max3A_712 = arith.maximumf %max3A_706, %gather3A_711 : vector<16xf32>
      %add3A_713 = arith.constant 48 : i32
      %add3A_714 = vector.broadcast %add3A_713 : i32 to vector<16xi32>
      %add3A_715 = arith.addi %mul3A_424, %add3A_714 : vector<16xi32>
      %gather3A_716 = tpu.vector_load_idx %arg6[%add3A_715] : memref<2048xi32, #tpu.memory_space<vmem>>[vector<16xi32>], vector<16xi32>,
      %gather3A_717 = tpu.vector_load_idx %arg5[%gather3A_716] : memref<100000xf32, #tpu.memory_space<vmem>>[vector<16xi32>], vector<16xf32>,
      %max3A_718 = arith.maximumf %max3A_712, %gather3A_717 : vector<16xf32>
      %add3A_719 = arith.constant 49 : i32
      %add3A_720 = vector.broadcast %add3A_719 : i32 to vector<16xi32>
      %add3A_721 = arith.addi %mul3A_424, %add3A_720 : vector<16xi32>
      %gather3A_722 = tpu.vector_load_idx %arg6[%add3A_721] : memref<2048xi32, #tpu.memory_space<vmem>>[vector<16xi32>], vector<16xi32>,
      %gather3A_723 = tpu.vector_load_idx %arg5[%gather3A_722] : memref<100000xf32, #tpu.memory_space<vmem>>[vector<16xi32>], vector<16xf32>,
      %max3A_724 = arith.maximumf %max3A_718, %gather3A_723 : vector<16xf32>
      %add3A_725 = arith.constant 50 : i32
      %add3A_726 = vector.broadcast %add3A_725 : i32 to vector<16xi32>
      %add3A_727 = arith.addi %mul3A_424, %add3A_726 : vector<16xi32>
      %gather3A_728 = tpu.vector_load_idx %arg6[%add3A_727] : memref<2048xi32, #tpu.memory_space<vmem>>[vector<16xi32>], vector<16xi32>,
      %gather3A_729 = tpu.vector_load_idx %arg5[%gather3A_728] : memref<100000xf32, #tpu.memory_space<vmem>>[vector<16xi32>], vector<16xf32>,
      %max3A_730 = arith.maximumf %max3A_724, %gather3A_729 : vector<16xf32>
      %add3A_731 = arith.constant 51 : i32
      %add3A_732 = vector.broadcast %add3A_731 : i32 to vector<16xi32>
      %add3A_733 = arith.addi %mul3A_424, %add3A_732 : vector<16xi32>
      %gather3A_734 = tpu.vector_load_idx %arg6[%add3A_733] : memref<2048xi32, #tpu.memory_space<vmem>>[vector<16xi32>], vector<16xi32>,
      %gather3A_735 = tpu.vector_load_idx %arg5[%gather3A_734] : memref<100000xf32, #tpu.memory_space<vmem>>[vector<16xi32>], vector<16xf32>,
      %max3A_736 = arith.maximumf %max3A_730, %gather3A_735 : vector<16xf32>
      %add3A_737 = arith.constant 52 : i32
      %add3A_738 = vector.broadcast %add3A_737 : i32 to vector<16xi32>
      %add3A_739 = arith.addi %mul3A_424, %add3A_738 : vector<16xi32>
      %gather3A_740 = tpu.vector_load_idx %arg6[%add3A_739] : memref<2048xi32, #tpu.memory_space<vmem>>[vector<16xi32>], vector<16xi32>,
      %gather3A_741 = tpu.vector_load_idx %arg5[%gather3A_740] : memref<100000xf32, #tpu.memory_space<vmem>>[vector<16xi32>], vector<16xf32>,
      %max3A_742 = arith.maximumf %max3A_736, %gather3A_741 : vector<16xf32>
      %add3A_743 = arith.constant 53 : i32
      %add3A_744 = vector.broadcast %add3A_743 : i32 to vector<16xi32>
      %add3A_745 = arith.addi %mul3A_424, %add3A_744 : vector<16xi32>
      %gather3A_746 = tpu.vector_load_idx %arg6[%add3A_745] : memref<2048xi32, #tpu.memory_space<vmem>>[vector<16xi32>], vector<16xi32>,
      %gather3A_747 = tpu.vector_load_idx %arg5[%gather3A_746] : memref<100000xf32, #tpu.memory_space<vmem>>[vector<16xi32>], vector<16xf32>,
      %max3A_748 = arith.maximumf %max3A_742, %gather3A_747 : vector<16xf32>
      %add3A_749 = arith.constant 54 : i32
      %add3A_750 = vector.broadcast %add3A_749 : i32 to vector<16xi32>
      %add3A_751 = arith.addi %mul3A_424, %add3A_750 : vector<16xi32>
      %gather3A_752 = tpu.vector_load_idx %arg6[%add3A_751] : memref<2048xi32, #tpu.memory_space<vmem>>[vector<16xi32>], vector<16xi32>,
      %gather3A_753 = tpu.vector_load_idx %arg5[%gather3A_752] : memref<100000xf32, #tpu.memory_space<vmem>>[vector<16xi32>], vector<16xf32>,
      %max3A_754 = arith.maximumf %max3A_748, %gather3A_753 : vector<16xf32>
      %add3A_755 = arith.constant 55 : i32
      %add3A_756 = vector.broadcast %add3A_755 : i32 to vector<16xi32>
      %add3A_757 = arith.addi %mul3A_424, %add3A_756 : vector<16xi32>
      %gather3A_758 = tpu.vector_load_idx %arg6[%add3A_757] : memref<2048xi32, #tpu.memory_space<vmem>>[vector<16xi32>], vector<16xi32>,
      %gather3A_759 = tpu.vector_load_idx %arg5[%gather3A_758] : memref<100000xf32, #tpu.memory_space<vmem>>[vector<16xi32>], vector<16xf32>,
      %max3A_760 = arith.maximumf %max3A_754, %gather3A_759 : vector<16xf32>
      %add3A_761 = arith.constant 56 : i32
      %add3A_762 = vector.broadcast %add3A_761 : i32 to vector<16xi32>
      %add3A_763 = arith.addi %mul3A_424, %add3A_762 : vector<16xi32>
      %gather3A_764 = tpu.vector_load_idx %arg6[%add3A_763] : memref<2048xi32, #tpu.memory_space<vmem>>[vector<16xi32>], vector<16xi32>,
      %gather3A_765 = tpu.vector_load_idx %arg5[%gather3A_764] : memref<100000xf32, #tpu.memory_space<vmem>>[vector<16xi32>], vector<16xf32>,
      %max3A_766 = arith.maximumf %max3A_760, %gather3A_765 : vector<16xf32>
      %add3A_767 = arith.constant 57 : i32
      %add3A_768 = vector.broadcast %add3A_767 : i32 to vector<16xi32>
      %add3A_769 = arith.addi %mul3A_424, %add3A_768 : vector<16xi32>
      %gather3A_770 = tpu.vector_load_idx %arg6[%add3A_769] : memref<2048xi32, #tpu.memory_space<vmem>>[vector<16xi32>], vector<16xi32>,
      %gather3A_771 = tpu.vector_load_idx %arg5[%gather3A_770] : memref<100000xf32, #tpu.memory_space<vmem>>[vector<16xi32>], vector<16xf32>,
      %max3A_772 = arith.maximumf %max3A_766, %gather3A_771 : vector<16xf32>
      %add3A_773 = arith.constant 58 : i32
      %add3A_774 = vector.broadcast %add3A_773 : i32 to vector<16xi32>
      %add3A_775 = arith.addi %mul3A_424, %add3A_774 : vector<16xi32>
      %gather3A_776 = tpu.vector_load_idx %arg6[%add3A_775] : memref<2048xi32, #tpu.memory_space<vmem>>[vector<16xi32>], vector<16xi32>,
      %gather3A_777 = tpu.vector_load_idx %arg5[%gather3A_776] : memref<100000xf32, #tpu.memory_space<vmem>>[vector<16xi32>], vector<16xf32>,
      %max3A_778 = arith.maximumf %max3A_772, %gather3A_777 : vector<16xf32>
      %add3A_779 = arith.constant 59 : i32
      %add3A_780 = vector.broadcast %add3A_779 : i32 to vector<16xi32>
      %add3A_781 = arith.addi %mul3A_424, %add3A_780 : vector<16xi32>
      %gather3A_782 = tpu.vector_load_idx %arg6[%add3A_781] : memref<2048xi32, #tpu.memory_space<vmem>>[vector<16xi32>], vector<16xi32>,
      %gather3A_783 = tpu.vector_load_idx %arg5[%gather3A_782] : memref<100000xf32, #tpu.memory_space<vmem>>[vector<16xi32>], vector<16xf32>,
      %max3A_784 = arith.maximumf %max3A_778, %gather3A_783 : vector<16xf32>
      %add3A_785 = arith.constant 60 : i32
      %add3A_786 = vector.broadcast %add3A_785 : i32 to vector<16xi32>
      %add3A_787 = arith.addi %mul3A_424, %add3A_786 : vector<16xi32>
      %gather3A_788 = tpu.vector_load_idx %arg6[%add3A_787] : memref<2048xi32, #tpu.memory_space<vmem>>[vector<16xi32>], vector<16xi32>,
      %gather3A_789 = tpu.vector_load_idx %arg5[%gather3A_788] : memref<100000xf32, #tpu.memory_space<vmem>>[vector<16xi32>], vector<16xf32>,
      %max3A_790 = arith.maximumf %max3A_784, %gather3A_789 : vector<16xf32>
      %add3A_791 = arith.constant 61 : i32
      %add3A_792 = vector.broadcast %add3A_791 : i32 to vector<16xi32>
      %add3A_793 = arith.addi %mul3A_424, %add3A_792 : vector<16xi32>
      %gather3A_794 = tpu.vector_load_idx %arg6[%add3A_793] : memref<2048xi32, #tpu.memory_space<vmem>>[vector<16xi32>], vector<16xi32>,
      %gather3A_795 = tpu.vector_load_idx %arg5[%gather3A_794] : memref<100000xf32, #tpu.memory_space<vmem>>[vector<16xi32>], vector<16xf32>,
      %max3A_796 = arith.maximumf %max3A_790, %gather3A_795 : vector<16xf32>
      %add3A_797 = arith.constant 62 : i32
      %add3A_798 = vector.broadcast %add3A_797 : i32 to vector<16xi32>
      %add3A_799 = arith.addi %mul3A_424, %add3A_798 : vector<16xi32>
      %gather3A_800 = tpu.vector_load_idx %arg6[%add3A_799] : memref<2048xi32, #tpu.memory_space<vmem>>[vector<16xi32>], vector<16xi32>,
      %gather3A_801 = tpu.vector_load_idx %arg5[%gather3A_800] : memref<100000xf32, #tpu.memory_space<vmem>>[vector<16xi32>], vector<16xf32>,
      %max3A_802 = arith.maximumf %max3A_796, %gather3A_801 : vector<16xf32>
      %add3A_803 = arith.constant 63 : i32
      %add3A_804 = vector.broadcast %add3A_803 : i32 to vector<16xi32>
      %add3A_805 = arith.addi %mul3A_424, %add3A_804 : vector<16xi32>
      %gather3A_806 = tpu.vector_load_idx %arg6[%add3A_805] : memref<2048xi32, #tpu.memory_space<vmem>>[vector<16xi32>], vector<16xi32>,
      %gather3A_807 = tpu.vector_load_idx %arg5[%gather3A_806] : memref<100000xf32, #tpu.memory_space<vmem>>[vector<16xi32>], vector<16xf32>,
      %max3A_808 = arith.maximumf %max3A_802, %gather3A_807 : vector<16xf32>
      %sub3A_809 = arith.subf %get3A_431, %max3A_808 : vector<16xf32>
      %mul3A_810 = arith.constant 32 : i32
      %mul3A_811 = arith.muli %while3A_21, %mul3A_810 : i32
      %add3A_812 = arith.constant 16 : i32
      %add3A_813 = arith.addi %mul3A_811, %add3A_812 : i32
      %swap3A_814 = arith.index_cast %add3A_813 : i32 to index
      %swap3A_815 = tpu.vector_load %arg7[%swap3A_814] {strides = array<i32>} : memref<3136xf32, #tpu.memory_space<vmem>>, vector<16xf32>,
      tpu.vector_store %arg7[%swap3A_814], %sub3A_809 {strides = array<i32>} : memref<3136xf32, #tpu.memory_space<vmem>>, vector<16xf32>,
    }
    %while3A_13 = arith.constant 1 : i32
    scf.for %while3A_21 = %while3A_11 to %while3A_7 step %while3A_13  : i32 {
      %mul3A_22 = arith.constant 32 : i32
      %mul3A_23 = arith.muli %while3A_21, %mul3A_22 : i32
      %add3A_24 = arith.addi %mul3A_2, %mul3A_23 : i32
      %mul3A_25 = arith.constant 64 : i32
      %mul3A_26 = arith.muli %add3A_24, %mul3A_25 : i32
      "tpu.region"() ({
        %run_scoped3A = tpu.sem_alloc : memref<!tpu.dma_semaphore, #tpu.memory_space<semaphore_mem>>
        %dma_start3A = tpu.memref_slice %arg3[%mul3A_26] : memref<6400000xi32, #tpu.memory_space<hbm>> -> memref<2048xi32, #tpu.memory_space<hbm>>
        %dma_start3A_816 = tpu.memref_slice %arg3[%mul3A_26] : memref<6400000xi32, #tpu.memory_space<hbm>> -> memref<2048xi32, #tpu.memory_space<hbm>>
        tpu.enqueue_dma source(%dma_start3A_816 : memref<2048xi32, #tpu.memory_space<hbm>>) target(%arg6 : memref<2048xi32, #tpu.memory_space<vmem>>) target_semaphore(%run_scoped3A : memref<!tpu.dma_semaphore, #tpu.memory_space<semaphore_mem>>)
        %dma_wait3A = tpu.memref_slice %arg3[%mul3A_26] : memref<6400000xi32, #tpu.memory_space<hbm>> -> memref<2048xi32, #tpu.memory_space<hbm>>
        %dma_wait3A_817 = tpu.memref_slice %arg3[%mul3A_26] : memref<6400000xi32, #tpu.memory_space<hbm>> -> memref<2048xi32, #tpu.memory_space<hbm>>
        tpu.wait_dma2 semaphore(%run_scoped3A : memref<!tpu.dma_semaphore, #tpu.memory_space<semaphore_mem>>) src(%dma_wait3A_817 : memref<2048xi32, #tpu.memory_space<hbm>>) dst(%arg6 : memref<2048xi32, #tpu.memory_space<vmem>>)
        tpu.yield
      }) : () -> ()
      %add3A_27 = arith.constant 0 : i32
      %add3A_28 = vector.broadcast %add3A_27 : i32 to vector<16xi32>
      %add3A_29 = arith.addi %iota3A, %add3A_28 : vector<16xi32>
      %mul3A_30 = arith.constant 64 : i32
      %mul3A_31 = vector.broadcast %mul3A_30 : i32 to vector<16xi32>
      %mul3A_32 = arith.muli %add3A_29, %mul3A_31 : vector<16xi32>
      %mul3A_33 = arith.constant 32 : i32
      %mul3A_34 = arith.muli %while3A_21, %mul3A_33 : i32
      %add3A_35 = arith.addi %mul3A_2, %mul3A_34 : i32
      %add3A_36 = arith.constant 0 : i32
      %add3A_37 = arith.addi %add3A_35, %add3A_36 : i32
      %get3A = arith.index_cast %add3A_37 : i32 to index
      %get3A_38 = tpu.vector_load %arg5[%get3A] {strides = array<i32>} : memref<100000xf32, #tpu.memory_space<vmem>>, vector<16xf32>,
      %add3A_39 = arith.constant 1 : i32
      %add3A_40 = vector.broadcast %add3A_39 : i32 to vector<16xi32>
      %add3A_41 = arith.addi %mul3A_32, %add3A_40 : vector<16xi32>
      %gather3A = tpu.vector_load_idx %arg6[%add3A_41] : memref<2048xi32, #tpu.memory_space<vmem>>[vector<16xi32>], vector<16xi32>,
      %gather3A_42 = tpu.vector_load_idx %arg5[%gather3A] : memref<100000xf32, #tpu.memory_space<vmem>>[vector<16xi32>], vector<16xf32>,
      %add3A_43 = arith.constant 2 : i32
      %add3A_44 = vector.broadcast %add3A_43 : i32 to vector<16xi32>
      %add3A_45 = arith.addi %mul3A_32, %add3A_44 : vector<16xi32>
      %gather3A_46 = tpu.vector_load_idx %arg6[%add3A_45] : memref<2048xi32, #tpu.memory_space<vmem>>[vector<16xi32>], vector<16xi32>,
      %gather3A_47 = tpu.vector_load_idx %arg5[%gather3A_46] : memref<100000xf32, #tpu.memory_space<vmem>>[vector<16xi32>], vector<16xf32>,
      %max3A = arith.maximumf %gather3A_42, %gather3A_47 : vector<16xf32>
      %add3A_48 = arith.constant 3 : i32
      %add3A_49 = vector.broadcast %add3A_48 : i32 to vector<16xi32>
      %add3A_50 = arith.addi %mul3A_32, %add3A_49 : vector<16xi32>
      %gather3A_51 = tpu.vector_load_idx %arg6[%add3A_50] : memref<2048xi32, #tpu.memory_space<vmem>>[vector<16xi32>], vector<16xi32>,
      %gather3A_52 = tpu.vector_load_idx %arg5[%gather3A_51] : memref<100000xf32, #tpu.memory_space<vmem>>[vector<16xi32>], vector<16xf32>,
      %max3A_53 = arith.maximumf %max3A, %gather3A_52 : vector<16xf32>
      %add3A_54 = arith.constant 4 : i32
      %add3A_55 = vector.broadcast %add3A_54 : i32 to vector<16xi32>
      %add3A_56 = arith.addi %mul3A_32, %add3A_55 : vector<16xi32>
      %gather3A_57 = tpu.vector_load_idx %arg6[%add3A_56] : memref<2048xi32, #tpu.memory_space<vmem>>[vector<16xi32>], vector<16xi32>,
      %gather3A_58 = tpu.vector_load_idx %arg5[%gather3A_57] : memref<100000xf32, #tpu.memory_space<vmem>>[vector<16xi32>], vector<16xf32>,
      %max3A_59 = arith.maximumf %max3A_53, %gather3A_58 : vector<16xf32>
      %add3A_60 = arith.constant 5 : i32
      %add3A_61 = vector.broadcast %add3A_60 : i32 to vector<16xi32>
      %add3A_62 = arith.addi %mul3A_32, %add3A_61 : vector<16xi32>
      %gather3A_63 = tpu.vector_load_idx %arg6[%add3A_62] : memref<2048xi32, #tpu.memory_space<vmem>>[vector<16xi32>], vector<16xi32>,
      %gather3A_64 = tpu.vector_load_idx %arg5[%gather3A_63] : memref<100000xf32, #tpu.memory_space<vmem>>[vector<16xi32>], vector<16xf32>,
      %max3A_65 = arith.maximumf %max3A_59, %gather3A_64 : vector<16xf32>
      %add3A_66 = arith.constant 6 : i32
      %add3A_67 = vector.broadcast %add3A_66 : i32 to vector<16xi32>
      %add3A_68 = arith.addi %mul3A_32, %add3A_67 : vector<16xi32>
      %gather3A_69 = tpu.vector_load_idx %arg6[%add3A_68] : memref<2048xi32, #tpu.memory_space<vmem>>[vector<16xi32>], vector<16xi32>,
      %gather3A_70 = tpu.vector_load_idx %arg5[%gather3A_69] : memref<100000xf32, #tpu.memory_space<vmem>>[vector<16xi32>], vector<16xf32>,
      %max3A_71 = arith.maximumf %max3A_65, %gather3A_70 : vector<16xf32>
      %add3A_72 = arith.constant 7 : i32
      %add3A_73 = vector.broadcast %add3A_72 : i32 to vector<16xi32>
      %add3A_74 = arith.addi %mul3A_32, %add3A_73 : vector<16xi32>
      %gather3A_75 = tpu.vector_load_idx %arg6[%add3A_74] : memref<2048xi32, #tpu.memory_space<vmem>>[vector<16xi32>], vector<16xi32>,
      %gather3A_76 = tpu.vector_load_idx %arg5[%gather3A_75] : memref<100000xf32, #tpu.memory_space<vmem>>[vector<16xi32>], vector<16xf32>,
      %max3A_77 = arith.maximumf %max3A_71, %gather3A_76 : vector<16xf32>
      %add3A_78 = arith.constant 8 : i32
      %add3A_79 = vector.broadcast %add3A_78 : i32 to vector<16xi32>
      %add3A_80 = arith.addi %mul3A_32, %add3A_79 : vector<16xi32>
      %gather3A_81 = tpu.vector_load_idx %arg6[%add3A_80] : memref<2048xi32, #tpu.memory_space<vmem>>[vector<16xi32>], vector<16xi32>,
      %gather3A_82 = tpu.vector_load_idx %arg5[%gather3A_81] : memref<100000xf32, #tpu.memory_space<vmem>>[vector<16xi32>], vector<16xf32>,
      %max3A_83 = arith.maximumf %max3A_77, %gather3A_82 : vector<16xf32>
      %add3A_84 = arith.constant 9 : i32
      %add3A_85 = vector.broadcast %add3A_84 : i32 to vector<16xi32>
      %add3A_86 = arith.addi %mul3A_32, %add3A_85 : vector<16xi32>
      %gather3A_87 = tpu.vector_load_idx %arg6[%add3A_86] : memref<2048xi32, #tpu.memory_space<vmem>>[vector<16xi32>], vector<16xi32>,
      %gather3A_88 = tpu.vector_load_idx %arg5[%gather3A_87] : memref<100000xf32, #tpu.memory_space<vmem>>[vector<16xi32>], vector<16xf32>,
      %max3A_89 = arith.maximumf %max3A_83, %gather3A_88 : vector<16xf32>
      %add3A_90 = arith.constant 10 : i32
      %add3A_91 = vector.broadcast %add3A_90 : i32 to vector<16xi32>
      %add3A_92 = arith.addi %mul3A_32, %add3A_91 : vector<16xi32>
      %gather3A_93 = tpu.vector_load_idx %arg6[%add3A_92] : memref<2048xi32, #tpu.memory_space<vmem>>[vector<16xi32>], vector<16xi32>,
      %gather3A_94 = tpu.vector_load_idx %arg5[%gather3A_93] : memref<100000xf32, #tpu.memory_space<vmem>>[vector<16xi32>], vector<16xf32>,
      %max3A_95 = arith.maximumf %max3A_89, %gather3A_94 : vector<16xf32>
      %add3A_96 = arith.constant 11 : i32
      %add3A_97 = vector.broadcast %add3A_96 : i32 to vector<16xi32>
      %add3A_98 = arith.addi %mul3A_32, %add3A_97 : vector<16xi32>
      %gather3A_99 = tpu.vector_load_idx %arg6[%add3A_98] : memref<2048xi32, #tpu.memory_space<vmem>>[vector<16xi32>], vector<16xi32>,
      %gather3A_100 = tpu.vector_load_idx %arg5[%gather3A_99] : memref<100000xf32, #tpu.memory_space<vmem>>[vector<16xi32>], vector<16xf32>,
      %max3A_101 = arith.maximumf %max3A_95, %gather3A_100 : vector<16xf32>
      %add3A_102 = arith.constant 12 : i32
      %add3A_103 = vector.broadcast %add3A_102 : i32 to vector<16xi32>
      %add3A_104 = arith.addi %mul3A_32, %add3A_103 : vector<16xi32>
      %gather3A_105 = tpu.vector_load_idx %arg6[%add3A_104] : memref<2048xi32, #tpu.memory_space<vmem>>[vector<16xi32>], vector<16xi32>,
      %gather3A_106 = tpu.vector_load_idx %arg5[%gather3A_105] : memref<100000xf32, #tpu.memory_space<vmem>>[vector<16xi32>], vector<16xf32>,
      %max3A_107 = arith.maximumf %max3A_101, %gather3A_106 : vector<16xf32>
      %add3A_108 = arith.constant 13 : i32
      %add3A_109 = vector.broadcast %add3A_108 : i32 to vector<16xi32>
      %add3A_110 = arith.addi %mul3A_32, %add3A_109 : vector<16xi32>
      %gather3A_111 = tpu.vector_load_idx %arg6[%add3A_110] : memref<2048xi32, #tpu.memory_space<vmem>>[vector<16xi32>], vector<16xi32>,
      %gather3A_112 = tpu.vector_load_idx %arg5[%gather3A_111] : memref<100000xf32, #tpu.memory_space<vmem>>[vector<16xi32>], vector<16xf32>,
      %max3A_113 = arith.maximumf %max3A_107, %gather3A_112 : vector<16xf32>
      %add3A_114 = arith.constant 14 : i32
      %add3A_115 = vector.broadcast %add3A_114 : i32 to vector<16xi32>
      %add3A_116 = arith.addi %mul3A_32, %add3A_115 : vector<16xi32>
      %gather3A_117 = tpu.vector_load_idx %arg6[%add3A_116] : memref<2048xi32, #tpu.memory_space<vmem>>[vector<16xi32>], vector<16xi32>,
      %gather3A_118 = tpu.vector_load_idx %arg5[%gather3A_117] : memref<100000xf32, #tpu.memory_space<vmem>>[vector<16xi32>], vector<16xf32>,
      %max3A_119 = arith.maximumf %max3A_113, %gather3A_118 : vector<16xf32>
      %add3A_120 = arith.constant 15 : i32
      %add3A_121 = vector.broadcast %add3A_120 : i32 to vector<16xi32>
      %add3A_122 = arith.addi %mul3A_32, %add3A_121 : vector<16xi32>
      %gather3A_123 = tpu.vector_load_idx %arg6[%add3A_122] : memref<2048xi32, #tpu.memory_space<vmem>>[vector<16xi32>], vector<16xi32>,
      %gather3A_124 = tpu.vector_load_idx %arg5[%gather3A_123] : memref<100000xf32, #tpu.memory_space<vmem>>[vector<16xi32>], vector<16xf32>,
      %max3A_125 = arith.maximumf %max3A_119, %gather3A_124 : vector<16xf32>
      %add3A_126 = arith.constant 16 : i32
      %add3A_127 = vector.broadcast %add3A_126 : i32 to vector<16xi32>
      %add3A_128 = arith.addi %mul3A_32, %add3A_127 : vector<16xi32>
      %gather3A_129 = tpu.vector_load_idx %arg6[%add3A_128] : memref<2048xi32, #tpu.memory_space<vmem>>[vector<16xi32>], vector<16xi32>,
      %gather3A_130 = tpu.vector_load_idx %arg5[%gather3A_129] : memref<100000xf32, #tpu.memory_space<vmem>>[vector<16xi32>], vector<16xf32>,
      %max3A_131 = arith.maximumf %max3A_125, %gather3A_130 : vector<16xf32>
      %add3A_132 = arith.constant 17 : i32
      %add3A_133 = vector.broadcast %add3A_132 : i32 to vector<16xi32>
      %add3A_134 = arith.addi %mul3A_32, %add3A_133 : vector<16xi32>
      %gather3A_135 = tpu.vector_load_idx %arg6[%add3A_134] : memref<2048xi32, #tpu.memory_space<vmem>>[vector<16xi32>], vector<16xi32>,
      %gather3A_136 = tpu.vector_load_idx %arg5[%gather3A_135] : memref<100000xf32, #tpu.memory_space<vmem>>[vector<16xi32>], vector<16xf32>,
      %max3A_137 = arith.maximumf %max3A_131, %gather3A_136 : vector<16xf32>
      %add3A_138 = arith.constant 18 : i32
      %add3A_139 = vector.broadcast %add3A_138 : i32 to vector<16xi32>
      %add3A_140 = arith.addi %mul3A_32, %add3A_139 : vector<16xi32>
      %gather3A_141 = tpu.vector_load_idx %arg6[%add3A_140] : memref<2048xi32, #tpu.memory_space<vmem>>[vector<16xi32>], vector<16xi32>,
      %gather3A_142 = tpu.vector_load_idx %arg5[%gather3A_141] : memref<100000xf32, #tpu.memory_space<vmem>>[vector<16xi32>], vector<16xf32>,
      %max3A_143 = arith.maximumf %max3A_137, %gather3A_142 : vector<16xf32>
      %add3A_144 = arith.constant 19 : i32
      %add3A_145 = vector.broadcast %add3A_144 : i32 to vector<16xi32>
      %add3A_146 = arith.addi %mul3A_32, %add3A_145 : vector<16xi32>
      %gather3A_147 = tpu.vector_load_idx %arg6[%add3A_146] : memref<2048xi32, #tpu.memory_space<vmem>>[vector<16xi32>], vector<16xi32>,
      %gather3A_148 = tpu.vector_load_idx %arg5[%gather3A_147] : memref<100000xf32, #tpu.memory_space<vmem>>[vector<16xi32>], vector<16xf32>,
      %max3A_149 = arith.maximumf %max3A_143, %gather3A_148 : vector<16xf32>
      %add3A_150 = arith.constant 20 : i32
      %add3A_151 = vector.broadcast %add3A_150 : i32 to vector<16xi32>
      %add3A_152 = arith.addi %mul3A_32, %add3A_151 : vector<16xi32>
      %gather3A_153 = tpu.vector_load_idx %arg6[%add3A_152] : memref<2048xi32, #tpu.memory_space<vmem>>[vector<16xi32>], vector<16xi32>,
      %gather3A_154 = tpu.vector_load_idx %arg5[%gather3A_153] : memref<100000xf32, #tpu.memory_space<vmem>>[vector<16xi32>], vector<16xf32>,
      %max3A_155 = arith.maximumf %max3A_149, %gather3A_154 : vector<16xf32>
      %add3A_156 = arith.constant 21 : i32
      %add3A_157 = vector.broadcast %add3A_156 : i32 to vector<16xi32>
      %add3A_158 = arith.addi %mul3A_32, %add3A_157 : vector<16xi32>
      %gather3A_159 = tpu.vector_load_idx %arg6[%add3A_158] : memref<2048xi32, #tpu.memory_space<vmem>>[vector<16xi32>], vector<16xi32>,
      %gather3A_160 = tpu.vector_load_idx %arg5[%gather3A_159] : memref<100000xf32, #tpu.memory_space<vmem>>[vector<16xi32>], vector<16xf32>,
      %max3A_161 = arith.maximumf %max3A_155, %gather3A_160 : vector<16xf32>
      %add3A_162 = arith.constant 22 : i32
      %add3A_163 = vector.broadcast %add3A_162 : i32 to vector<16xi32>
      %add3A_164 = arith.addi %mul3A_32, %add3A_163 : vector<16xi32>
      %gather3A_165 = tpu.vector_load_idx %arg6[%add3A_164] : memref<2048xi32, #tpu.memory_space<vmem>>[vector<16xi32>], vector<16xi32>,
      %gather3A_166 = tpu.vector_load_idx %arg5[%gather3A_165] : memref<100000xf32, #tpu.memory_space<vmem>>[vector<16xi32>], vector<16xf32>,
      %max3A_167 = arith.maximumf %max3A_161, %gather3A_166 : vector<16xf32>
      %add3A_168 = arith.constant 23 : i32
      %add3A_169 = vector.broadcast %add3A_168 : i32 to vector<16xi32>
      %add3A_170 = arith.addi %mul3A_32, %add3A_169 : vector<16xi32>
      %gather3A_171 = tpu.vector_load_idx %arg6[%add3A_170] : memref<2048xi32, #tpu.memory_space<vmem>>[vector<16xi32>], vector<16xi32>,
      %gather3A_172 = tpu.vector_load_idx %arg5[%gather3A_171] : memref<100000xf32, #tpu.memory_space<vmem>>[vector<16xi32>], vector<16xf32>,
      %max3A_173 = arith.maximumf %max3A_167, %gather3A_172 : vector<16xf32>
      %add3A_174 = arith.constant 24 : i32
      %add3A_175 = vector.broadcast %add3A_174 : i32 to vector<16xi32>
      %add3A_176 = arith.addi %mul3A_32, %add3A_175 : vector<16xi32>
      %gather3A_177 = tpu.vector_load_idx %arg6[%add3A_176] : memref<2048xi32, #tpu.memory_space<vmem>>[vector<16xi32>], vector<16xi32>,
      %gather3A_178 = tpu.vector_load_idx %arg5[%gather3A_177] : memref<100000xf32, #tpu.memory_space<vmem>>[vector<16xi32>], vector<16xf32>,
      %max3A_179 = arith.maximumf %max3A_173, %gather3A_178 : vector<16xf32>
      %add3A_180 = arith.constant 25 : i32
      %add3A_181 = vector.broadcast %add3A_180 : i32 to vector<16xi32>
      %add3A_182 = arith.addi %mul3A_32, %add3A_181 : vector<16xi32>
      %gather3A_183 = tpu.vector_load_idx %arg6[%add3A_182] : memref<2048xi32, #tpu.memory_space<vmem>>[vector<16xi32>], vector<16xi32>,
      %gather3A_184 = tpu.vector_load_idx %arg5[%gather3A_183] : memref<100000xf32, #tpu.memory_space<vmem>>[vector<16xi32>], vector<16xf32>,
      %max3A_185 = arith.maximumf %max3A_179, %gather3A_184 : vector<16xf32>
      %add3A_186 = arith.constant 26 : i32
      %add3A_187 = vector.broadcast %add3A_186 : i32 to vector<16xi32>
      %add3A_188 = arith.addi %mul3A_32, %add3A_187 : vector<16xi32>
      %gather3A_189 = tpu.vector_load_idx %arg6[%add3A_188] : memref<2048xi32, #tpu.memory_space<vmem>>[vector<16xi32>], vector<16xi32>,
      %gather3A_190 = tpu.vector_load_idx %arg5[%gather3A_189] : memref<100000xf32, #tpu.memory_space<vmem>>[vector<16xi32>], vector<16xf32>,
      %max3A_191 = arith.maximumf %max3A_185, %gather3A_190 : vector<16xf32>
      %add3A_192 = arith.constant 27 : i32
      %add3A_193 = vector.broadcast %add3A_192 : i32 to vector<16xi32>
      %add3A_194 = arith.addi %mul3A_32, %add3A_193 : vector<16xi32>
      %gather3A_195 = tpu.vector_load_idx %arg6[%add3A_194] : memref<2048xi32, #tpu.memory_space<vmem>>[vector<16xi32>], vector<16xi32>,
      %gather3A_196 = tpu.vector_load_idx %arg5[%gather3A_195] : memref<100000xf32, #tpu.memory_space<vmem>>[vector<16xi32>], vector<16xf32>,
      %max3A_197 = arith.maximumf %max3A_191, %gather3A_196 : vector<16xf32>
      %add3A_198 = arith.constant 28 : i32
      %add3A_199 = vector.broadcast %add3A_198 : i32 to vector<16xi32>
      %add3A_200 = arith.addi %mul3A_32, %add3A_199 : vector<16xi32>
      %gather3A_201 = tpu.vector_load_idx %arg6[%add3A_200] : memref<2048xi32, #tpu.memory_space<vmem>>[vector<16xi32>], vector<16xi32>,
      %gather3A_202 = tpu.vector_load_idx %arg5[%gather3A_201] : memref<100000xf32, #tpu.memory_space<vmem>>[vector<16xi32>], vector<16xf32>,
      %max3A_203 = arith.maximumf %max3A_197, %gather3A_202 : vector<16xf32>
      %add3A_204 = arith.constant 29 : i32
      %add3A_205 = vector.broadcast %add3A_204 : i32 to vector<16xi32>
      %add3A_206 = arith.addi %mul3A_32, %add3A_205 : vector<16xi32>
      %gather3A_207 = tpu.vector_load_idx %arg6[%add3A_206] : memref<2048xi32, #tpu.memory_space<vmem>>[vector<16xi32>], vector<16xi32>,
      %gather3A_208 = tpu.vector_load_idx %arg5[%gather3A_207] : memref<100000xf32, #tpu.memory_space<vmem>>[vector<16xi32>], vector<16xf32>,
      %max3A_209 = arith.maximumf %max3A_203, %gather3A_208 : vector<16xf32>
      %add3A_210 = arith.constant 30 : i32
      %add3A_211 = vector.broadcast %add3A_210 : i32 to vector<16xi32>
      %add3A_212 = arith.addi %mul3A_32, %add3A_211 : vector<16xi32>
      %gather3A_213 = tpu.vector_load_idx %arg6[%add3A_212] : memref<2048xi32, #tpu.memory_space<vmem>>[vector<16xi32>], vector<16xi32>,
      %gather3A_214 = tpu.vector_load_idx %arg5[%gather3A_213] : memref<100000xf32, #tpu.memory_space<vmem>>[vector<16xi32>], vector<16xf32>,
      %max3A_215 = arith.maximumf %max3A_209, %gather3A_214 : vector<16xf32>
      %add3A_216 = arith.constant 31 : i32
      %add3A_217 = vector.broadcast %add3A_216 : i32 to vector<16xi32>
      %add3A_218 = arith.addi %mul3A_32, %add3A_217 : vector<16xi32>
      %gather3A_219 = tpu.vector_load_idx %arg6[%add3A_218] : memref<2048xi32, #tpu.memory_space<vmem>>[vector<16xi32>], vector<16xi32>,
      %gather3A_220 = tpu.vector_load_idx %arg5[%gather3A_219] : memref<100000xf32, #tpu.memory_space<vmem>>[vector<16xi32>], vector<16xf32>,
      %max3A_221 = arith.maximumf %max3A_215, %gather3A_220 : vector<16xf32>
      %add3A_222 = arith.constant 32 : i32
      %add3A_223 = vector.broadcast %add3A_222 : i32 to vector<16xi32>
      %add3A_224 = arith.addi %mul3A_32, %add3A_223 : vector<16xi32>
      %gather3A_225 = tpu.vector_load_idx %arg6[%add3A_224] : memref<2048xi32, #tpu.memory_space<vmem>>[vector<16xi32>], vector<16xi32>,
      %gather3A_226 = tpu.vector_load_idx %arg5[%gather3A_225] : memref<100000xf32, #tpu.memory_space<vmem>>[vector<16xi32>], vector<16xf32>,
      %max3A_227 = arith.maximumf %max3A_221, %gather3A_226 : vector<16xf32>
      %add3A_228 = arith.constant 33 : i32
      %add3A_229 = vector.broadcast %add3A_228 : i32 to vector<16xi32>
      %add3A_230 = arith.addi %mul3A_32, %add3A_229 : vector<16xi32>
      %gather3A_231 = tpu.vector_load_idx %arg6[%add3A_230] : memref<2048xi32, #tpu.memory_space<vmem>>[vector<16xi32>], vector<16xi32>,
      %gather3A_232 = tpu.vector_load_idx %arg5[%gather3A_231] : memref<100000xf32, #tpu.memory_space<vmem>>[vector<16xi32>], vector<16xf32>,
      %max3A_233 = arith.maximumf %max3A_227, %gather3A_232 : vector<16xf32>
      %add3A_234 = arith.constant 34 : i32
      %add3A_235 = vector.broadcast %add3A_234 : i32 to vector<16xi32>
      %add3A_236 = arith.addi %mul3A_32, %add3A_235 : vector<16xi32>
      %gather3A_237 = tpu.vector_load_idx %arg6[%add3A_236] : memref<2048xi32, #tpu.memory_space<vmem>>[vector<16xi32>], vector<16xi32>,
      %gather3A_238 = tpu.vector_load_idx %arg5[%gather3A_237] : memref<100000xf32, #tpu.memory_space<vmem>>[vector<16xi32>], vector<16xf32>,
      %max3A_239 = arith.maximumf %max3A_233, %gather3A_238 : vector<16xf32>
      %add3A_240 = arith.constant 35 : i32
      %add3A_241 = vector.broadcast %add3A_240 : i32 to vector<16xi32>
      %add3A_242 = arith.addi %mul3A_32, %add3A_241 : vector<16xi32>
      %gather3A_243 = tpu.vector_load_idx %arg6[%add3A_242] : memref<2048xi32, #tpu.memory_space<vmem>>[vector<16xi32>], vector<16xi32>,
      %gather3A_244 = tpu.vector_load_idx %arg5[%gather3A_243] : memref<100000xf32, #tpu.memory_space<vmem>>[vector<16xi32>], vector<16xf32>,
      %max3A_245 = arith.maximumf %max3A_239, %gather3A_244 : vector<16xf32>
      %add3A_246 = arith.constant 36 : i32
      %add3A_247 = vector.broadcast %add3A_246 : i32 to vector<16xi32>
      %add3A_248 = arith.addi %mul3A_32, %add3A_247 : vector<16xi32>
      %gather3A_249 = tpu.vector_load_idx %arg6[%add3A_248] : memref<2048xi32, #tpu.memory_space<vmem>>[vector<16xi32>], vector<16xi32>,
      %gather3A_250 = tpu.vector_load_idx %arg5[%gather3A_249] : memref<100000xf32, #tpu.memory_space<vmem>>[vector<16xi32>], vector<16xf32>,
      %max3A_251 = arith.maximumf %max3A_245, %gather3A_250 : vector<16xf32>
      %add3A_252 = arith.constant 37 : i32
      %add3A_253 = vector.broadcast %add3A_252 : i32 to vector<16xi32>
      %add3A_254 = arith.addi %mul3A_32, %add3A_253 : vector<16xi32>
      %gather3A_255 = tpu.vector_load_idx %arg6[%add3A_254] : memref<2048xi32, #tpu.memory_space<vmem>>[vector<16xi32>], vector<16xi32>,
      %gather3A_256 = tpu.vector_load_idx %arg5[%gather3A_255] : memref<100000xf32, #tpu.memory_space<vmem>>[vector<16xi32>], vector<16xf32>,
      %max3A_257 = arith.maximumf %max3A_251, %gather3A_256 : vector<16xf32>
      %add3A_258 = arith.constant 38 : i32
      %add3A_259 = vector.broadcast %add3A_258 : i32 to vector<16xi32>
      %add3A_260 = arith.addi %mul3A_32, %add3A_259 : vector<16xi32>
      %gather3A_261 = tpu.vector_load_idx %arg6[%add3A_260] : memref<2048xi32, #tpu.memory_space<vmem>>[vector<16xi32>], vector<16xi32>,
      %gather3A_262 = tpu.vector_load_idx %arg5[%gather3A_261] : memref<100000xf32, #tpu.memory_space<vmem>>[vector<16xi32>], vector<16xf32>,
      %max3A_263 = arith.maximumf %max3A_257, %gather3A_262 : vector<16xf32>
      %add3A_264 = arith.constant 39 : i32
      %add3A_265 = vector.broadcast %add3A_264 : i32 to vector<16xi32>
      %add3A_266 = arith.addi %mul3A_32, %add3A_265 : vector<16xi32>
      %gather3A_267 = tpu.vector_load_idx %arg6[%add3A_266] : memref<2048xi32, #tpu.memory_space<vmem>>[vector<16xi32>], vector<16xi32>,
      %gather3A_268 = tpu.vector_load_idx %arg5[%gather3A_267] : memref<100000xf32, #tpu.memory_space<vmem>>[vector<16xi32>], vector<16xf32>,
      %max3A_269 = arith.maximumf %max3A_263, %gather3A_268 : vector<16xf32>
      %add3A_270 = arith.constant 40 : i32
      %add3A_271 = vector.broadcast %add3A_270 : i32 to vector<16xi32>
      %add3A_272 = arith.addi %mul3A_32, %add3A_271 : vector<16xi32>
      %gather3A_273 = tpu.vector_load_idx %arg6[%add3A_272] : memref<2048xi32, #tpu.memory_space<vmem>>[vector<16xi32>], vector<16xi32>,
      %gather3A_274 = tpu.vector_load_idx %arg5[%gather3A_273] : memref<100000xf32, #tpu.memory_space<vmem>>[vector<16xi32>], vector<16xf32>,
      %max3A_275 = arith.maximumf %max3A_269, %gather3A_274 : vector<16xf32>
      %add3A_276 = arith.constant 41 : i32
      %add3A_277 = vector.broadcast %add3A_276 : i32 to vector<16xi32>
      %add3A_278 = arith.addi %mul3A_32, %add3A_277 : vector<16xi32>
      %gather3A_279 = tpu.vector_load_idx %arg6[%add3A_278] : memref<2048xi32, #tpu.memory_space<vmem>>[vector<16xi32>], vector<16xi32>,
      %gather3A_280 = tpu.vector_load_idx %arg5[%gather3A_279] : memref<100000xf32, #tpu.memory_space<vmem>>[vector<16xi32>], vector<16xf32>,
      %max3A_281 = arith.maximumf %max3A_275, %gather3A_280 : vector<16xf32>
      %add3A_282 = arith.constant 42 : i32
      %add3A_283 = vector.broadcast %add3A_282 : i32 to vector<16xi32>
      %add3A_284 = arith.addi %mul3A_32, %add3A_283 : vector<16xi32>
      %gather3A_285 = tpu.vector_load_idx %arg6[%add3A_284] : memref<2048xi32, #tpu.memory_space<vmem>>[vector<16xi32>], vector<16xi32>,
      %gather3A_286 = tpu.vector_load_idx %arg5[%gather3A_285] : memref<100000xf32, #tpu.memory_space<vmem>>[vector<16xi32>], vector<16xf32>,
      %max3A_287 = arith.maximumf %max3A_281, %gather3A_286 : vector<16xf32>
      %add3A_288 = arith.constant 43 : i32
      %add3A_289 = vector.broadcast %add3A_288 : i32 to vector<16xi32>
      %add3A_290 = arith.addi %mul3A_32, %add3A_289 : vector<16xi32>
      %gather3A_291 = tpu.vector_load_idx %arg6[%add3A_290] : memref<2048xi32, #tpu.memory_space<vmem>>[vector<16xi32>], vector<16xi32>,
      %gather3A_292 = tpu.vector_load_idx %arg5[%gather3A_291] : memref<100000xf32, #tpu.memory_space<vmem>>[vector<16xi32>], vector<16xf32>,
      %max3A_293 = arith.maximumf %max3A_287, %gather3A_292 : vector<16xf32>
      %add3A_294 = arith.constant 44 : i32
      %add3A_295 = vector.broadcast %add3A_294 : i32 to vector<16xi32>
      %add3A_296 = arith.addi %mul3A_32, %add3A_295 : vector<16xi32>
      %gather3A_297 = tpu.vector_load_idx %arg6[%add3A_296] : memref<2048xi32, #tpu.memory_space<vmem>>[vector<16xi32>], vector<16xi32>,
      %gather3A_298 = tpu.vector_load_idx %arg5[%gather3A_297] : memref<100000xf32, #tpu.memory_space<vmem>>[vector<16xi32>], vector<16xf32>,
      %max3A_299 = arith.maximumf %max3A_293, %gather3A_298 : vector<16xf32>
      %add3A_300 = arith.constant 45 : i32
      %add3A_301 = vector.broadcast %add3A_300 : i32 to vector<16xi32>
      %add3A_302 = arith.addi %mul3A_32, %add3A_301 : vector<16xi32>
      %gather3A_303 = tpu.vector_load_idx %arg6[%add3A_302] : memref<2048xi32, #tpu.memory_space<vmem>>[vector<16xi32>], vector<16xi32>,
      %gather3A_304 = tpu.vector_load_idx %arg5[%gather3A_303] : memref<100000xf32, #tpu.memory_space<vmem>>[vector<16xi32>], vector<16xf32>,
      %max3A_305 = arith.maximumf %max3A_299, %gather3A_304 : vector<16xf32>
      %add3A_306 = arith.constant 46 : i32
      %add3A_307 = vector.broadcast %add3A_306 : i32 to vector<16xi32>
      %add3A_308 = arith.addi %mul3A_32, %add3A_307 : vector<16xi32>
      %gather3A_309 = tpu.vector_load_idx %arg6[%add3A_308] : memref<2048xi32, #tpu.memory_space<vmem>>[vector<16xi32>], vector<16xi32>,
      %gather3A_310 = tpu.vector_load_idx %arg5[%gather3A_309] : memref<100000xf32, #tpu.memory_space<vmem>>[vector<16xi32>], vector<16xf32>,
      %max3A_311 = arith.maximumf %max3A_305, %gather3A_310 : vector<16xf32>
      %add3A_312 = arith.constant 47 : i32
      %add3A_313 = vector.broadcast %add3A_312 : i32 to vector<16xi32>
      %add3A_314 = arith.addi %mul3A_32, %add3A_313 : vector<16xi32>
      %gather3A_315 = tpu.vector_load_idx %arg6[%add3A_314] : memref<2048xi32, #tpu.memory_space<vmem>>[vector<16xi32>], vector<16xi32>,
      %gather3A_316 = tpu.vector_load_idx %arg5[%gather3A_315] : memref<100000xf32, #tpu.memory_space<vmem>>[vector<16xi32>], vector<16xf32>,
      %max3A_317 = arith.maximumf %max3A_311, %gather3A_316 : vector<16xf32>
      %add3A_318 = arith.constant 48 : i32
      %add3A_319 = vector.broadcast %add3A_318 : i32 to vector<16xi32>
      %add3A_320 = arith.addi %mul3A_32, %add3A_319 : vector<16xi32>
      %gather3A_321 = tpu.vector_load_idx %arg6[%add3A_320] : memref<2048xi32, #tpu.memory_space<vmem>>[vector<16xi32>], vector<16xi32>,
      %gather3A_322 = tpu.vector_load_idx %arg5[%gather3A_321] : memref<100000xf32, #tpu.memory_space<vmem>>[vector<16xi32>], vector<16xf32>,
      %max3A_323 = arith.maximumf %max3A_317, %gather3A_322 : vector<16xf32>
      %add3A_324 = arith.constant 49 : i32
      %add3A_325 = vector.broadcast %add3A_324 : i32 to vector<16xi32>
      %add3A_326 = arith.addi %mul3A_32, %add3A_325 : vector<16xi32>
      %gather3A_327 = tpu.vector_load_idx %arg6[%add3A_326] : memref<2048xi32, #tpu.memory_space<vmem>>[vector<16xi32>], vector<16xi32>,
      %gather3A_328 = tpu.vector_load_idx %arg5[%gather3A_327] : memref<100000xf32, #tpu.memory_space<vmem>>[vector<16xi32>], vector<16xf32>,
      %max3A_329 = arith.maximumf %max3A_323, %gather3A_328 : vector<16xf32>
      %add3A_330 = arith.constant 50 : i32
      %add3A_331 = vector.broadcast %add3A_330 : i32 to vector<16xi32>
      %add3A_332 = arith.addi %mul3A_32, %add3A_331 : vector<16xi32>
      %gather3A_333 = tpu.vector_load_idx %arg6[%add3A_332] : memref<2048xi32, #tpu.memory_space<vmem>>[vector<16xi32>], vector<16xi32>,
      %gather3A_334 = tpu.vector_load_idx %arg5[%gather3A_333] : memref<100000xf32, #tpu.memory_space<vmem>>[vector<16xi32>], vector<16xf32>,
      %max3A_335 = arith.maximumf %max3A_329, %gather3A_334 : vector<16xf32>
      %add3A_336 = arith.constant 51 : i32
      %add3A_337 = vector.broadcast %add3A_336 : i32 to vector<16xi32>
      %add3A_338 = arith.addi %mul3A_32, %add3A_337 : vector<16xi32>
      %gather3A_339 = tpu.vector_load_idx %arg6[%add3A_338] : memref<2048xi32, #tpu.memory_space<vmem>>[vector<16xi32>], vector<16xi32>,
      %gather3A_340 = tpu.vector_load_idx %arg5[%gather3A_339] : memref<100000xf32, #tpu.memory_space<vmem>>[vector<16xi32>], vector<16xf32>,
      %max3A_341 = arith.maximumf %max3A_335, %gather3A_340 : vector<16xf32>
      %add3A_342 = arith.constant 52 : i32
      %add3A_343 = vector.broadcast %add3A_342 : i32 to vector<16xi32>
      %add3A_344 = arith.addi %mul3A_32, %add3A_343 : vector<16xi32>
      %gather3A_345 = tpu.vector_load_idx %arg6[%add3A_344] : memref<2048xi32, #tpu.memory_space<vmem>>[vector<16xi32>], vector<16xi32>,
      %gather3A_346 = tpu.vector_load_idx %arg5[%gather3A_345] : memref<100000xf32, #tpu.memory_space<vmem>>[vector<16xi32>], vector<16xf32>,
      %max3A_347 = arith.maximumf %max3A_341, %gather3A_346 : vector<16xf32>
      %add3A_348 = arith.constant 53 : i32
      %add3A_349 = vector.broadcast %add3A_348 : i32 to vector<16xi32>
      %add3A_350 = arith.addi %mul3A_32, %add3A_349 : vector<16xi32>
      %gather3A_351 = tpu.vector_load_idx %arg6[%add3A_350] : memref<2048xi32, #tpu.memory_space<vmem>>[vector<16xi32>], vector<16xi32>,
      %gather3A_352 = tpu.vector_load_idx %arg5[%gather3A_351] : memref<100000xf32, #tpu.memory_space<vmem>>[vector<16xi32>], vector<16xf32>,
      %max3A_353 = arith.maximumf %max3A_347, %gather3A_352 : vector<16xf32>
      %add3A_354 = arith.constant 54 : i32
      %add3A_355 = vector.broadcast %add3A_354 : i32 to vector<16xi32>
      %add3A_356 = arith.addi %mul3A_32, %add3A_355 : vector<16xi32>
      %gather3A_357 = tpu.vector_load_idx %arg6[%add3A_356] : memref<2048xi32, #tpu.memory_space<vmem>>[vector<16xi32>], vector<16xi32>,
      %gather3A_358 = tpu.vector_load_idx %arg5[%gather3A_357] : memref<100000xf32, #tpu.memory_space<vmem>>[vector<16xi32>], vector<16xf32>,
      %max3A_359 = arith.maximumf %max3A_353, %gather3A_358 : vector<16xf32>
      %add3A_360 = arith.constant 55 : i32
      %add3A_361 = vector.broadcast %add3A_360 : i32 to vector<16xi32>
      %add3A_362 = arith.addi %mul3A_32, %add3A_361 : vector<16xi32>
      %gather3A_363 = tpu.vector_load_idx %arg6[%add3A_362] : memref<2048xi32, #tpu.memory_space<vmem>>[vector<16xi32>], vector<16xi32>,
      %gather3A_364 = tpu.vector_load_idx %arg5[%gather3A_363] : memref<100000xf32, #tpu.memory_space<vmem>>[vector<16xi32>], vector<16xf32>,
      %max3A_365 = arith.maximumf %max3A_359, %gather3A_364 : vector<16xf32>
      %add3A_366 = arith.constant 56 : i32
      %add3A_367 = vector.broadcast %add3A_366 : i32 to vector<16xi32>
      %add3A_368 = arith.addi %mul3A_32, %add3A_367 : vector<16xi32>
      %gather3A_369 = tpu.vector_load_idx %arg6[%add3A_368] : memref<2048xi32, #tpu.memory_space<vmem>>[vector<16xi32>], vector<16xi32>,
      %gather3A_370 = tpu.vector_load_idx %arg5[%gather3A_369] : memref<100000xf32, #tpu.memory_space<vmem>>[vector<16xi32>], vector<16xf32>,
      %max3A_371 = arith.maximumf %max3A_365, %gather3A_370 : vector<16xf32>
      %add3A_372 = arith.constant 57 : i32
      %add3A_373 = vector.broadcast %add3A_372 : i32 to vector<16xi32>
      %add3A_374 = arith.addi %mul3A_32, %add3A_373 : vector<16xi32>
      %gather3A_375 = tpu.vector_load_idx %arg6[%add3A_374] : memref<2048xi32, #tpu.memory_space<vmem>>[vector<16xi32>], vector<16xi32>,
      %gather3A_376 = tpu.vector_load_idx %arg5[%gather3A_375] : memref<100000xf32, #tpu.memory_space<vmem>>[vector<16xi32>], vector<16xf32>,
      %max3A_377 = arith.maximumf %max3A_371, %gather3A_376 : vector<16xf32>
      %add3A_378 = arith.constant 58 : i32
      %add3A_379 = vector.broadcast %add3A_378 : i32 to vector<16xi32>
      %add3A_380 = arith.addi %mul3A_32, %add3A_379 : vector<16xi32>
      %gather3A_381 = tpu.vector_load_idx %arg6[%add3A_380] : memref<2048xi32, #tpu.memory_space<vmem>>[vector<16xi32>], vector<16xi32>,
      %gather3A_382 = tpu.vector_load_idx %arg5[%gather3A_381] : memref<100000xf32, #tpu.memory_space<vmem>>[vector<16xi32>], vector<16xf32>,
      %max3A_383 = arith.maximumf %max3A_377, %gather3A_382 : vector<16xf32>
      %add3A_384 = arith.constant 59 : i32
      %add3A_385 = vector.broadcast %add3A_384 : i32 to vector<16xi32>
      %add3A_386 = arith.addi %mul3A_32, %add3A_385 : vector<16xi32>
      %gather3A_387 = tpu.vector_load_idx %arg6[%add3A_386] : memref<2048xi32, #tpu.memory_space<vmem>>[vector<16xi32>], vector<16xi32>,
      %gather3A_388 = tpu.vector_load_idx %arg5[%gather3A_387] : memref<100000xf32, #tpu.memory_space<vmem>>[vector<16xi32>], vector<16xf32>,
      %max3A_389 = arith.maximumf %max3A_383, %gather3A_388 : vector<16xf32>
      %add3A_390 = arith.constant 60 : i32
      %add3A_391 = vector.broadcast %add3A_390 : i32 to vector<16xi32>
      %add3A_392 = arith.addi %mul3A_32, %add3A_391 : vector<16xi32>
      %gather3A_393 = tpu.vector_load_idx %arg6[%add3A_392] : memref<2048xi32, #tpu.memory_space<vmem>>[vector<16xi32>], vector<16xi32>,
      %gather3A_394 = tpu.vector_load_idx %arg5[%gather3A_393] : memref<100000xf32, #tpu.memory_space<vmem>>[vector<16xi32>], vector<16xf32>,
      %max3A_395 = arith.maximumf %max3A_389, %gather3A_394 : vector<16xf32>
      %add3A_396 = arith.constant 61 : i32
      %add3A_397 = vector.broadcast %add3A_396 : i32 to vector<16xi32>
      %add3A_398 = arith.addi %mul3A_32, %add3A_397 : vector<16xi32>
      %gather3A_399 = tpu.vector_load_idx %arg6[%add3A_398] : memref<2048xi32, #tpu.memory_space<vmem>>[vector<16xi32>], vector<16xi32>,
      %gather3A_400 = tpu.vector_load_idx %arg5[%gather3A_399] : memref<100000xf32, #tpu.memory_space<vmem>>[vector<16xi32>], vector<16xf32>,
      %max3A_401 = arith.maximumf %max3A_395, %gather3A_400 : vector<16xf32>
      %add3A_402 = arith.constant 62 : i32
      %add3A_403 = vector.broadcast %add3A_402 : i32 to vector<16xi32>
      %add3A_404 = arith.addi %mul3A_32, %add3A_403 : vector<16xi32>
      %gather3A_405 = tpu.vector_load_idx %arg6[%add3A_404] : memref<2048xi32, #tpu.memory_space<vmem>>[vector<16xi32>], vector<16xi32>,
      %gather3A_406 = tpu.vector_load_idx %arg5[%gather3A_405] : memref<100000xf32, #tpu.memory_space<vmem>>[vector<16xi32>], vector<16xf32>,
      %max3A_407 = arith.maximumf %max3A_401, %gather3A_406 : vector<16xf32>
      %add3A_408 = arith.constant 63 : i32
      %add3A_409 = vector.broadcast %add3A_408 : i32 to vector<16xi32>
      %add3A_410 = arith.addi %mul3A_32, %add3A_409 : vector<16xi32>
      %gather3A_411 = tpu.vector_load_idx %arg6[%add3A_410] : memref<2048xi32, #tpu.memory_space<vmem>>[vector<16xi32>], vector<16xi32>,
      %gather3A_412 = tpu.vector_load_idx %arg5[%gather3A_411] : memref<100000xf32, #tpu.memory_space<vmem>>[vector<16xi32>], vector<16xf32>,
      %max3A_413 = arith.maximumf %max3A_407, %gather3A_412 : vector<16xf32>
      %sub3A = arith.subf %get3A_38, %max3A_413 : vector<16xf32>
      %mul3A_414 = arith.constant 32 : i32
      %mul3A_415 = arith.muli %while3A_21, %mul3A_414 : i32
      %add3A_416 = arith.constant 0 : i32
      %add3A_417 = arith.addi %mul3A_415, %add3A_416 : i32
      %swap3A = arith.index_cast %add3A_417 : i32 to index
      %swap3A_418 = tpu.vector_load %arg7[%swap3A] {strides = array<i32>} : memref<3136xf32, #tpu.memory_space<vmem>>, vector<16xf32>,
      tpu.vector_store %arg7[%swap3A], %sub3A {strides = array<i32>} : memref<3136xf32, #tpu.memory_space<vmem>>, vector<16xf32>,
      %add3A_419 = arith.constant 16 : i32
      %add3A_420 = vector.broadcast %add3A_419 : i32 to vector<16xi32>
      %add3A_421 = arith.addi %iota3A, %add3A_420 : vector<16xi32>
      %mul3A_422 = arith.constant 64 : i32
      %mul3A_423 = vector.broadcast %mul3A_422 : i32 to vector<16xi32>
      %mul3A_424 = arith.muli %add3A_421, %mul3A_423 : vector<16xi32>
      %mul3A_425 = arith.constant 32 : i32
      %mul3A_426 = arith.muli %while3A_21, %mul3A_425 : i32
      %add3A_427 = arith.addi %mul3A_2, %mul3A_426 : i32
      %add3A_428 = arith.constant 16 : i32
      %add3A_429 = arith.addi %add3A_427, %add3A_428 : i32
      %get3A_430 = arith.index_cast %add3A_429 : i32 to index
      %get3A_431 = tpu.vector_load %arg5[%get3A_430] {strides = array<i32>} : memref<100000xf32, #tpu.memory_space<vmem>>, vector<16xf32>,
      %add3A_432 = arith.constant 1 : i32
      %add3A_433 = vector.broadcast %add3A_432 : i32 to vector<16xi32>
      %add3A_434 = arith.addi %mul3A_424, %add3A_433 : vector<16xi32>
      %gather3A_435 = tpu.vector_load_idx %arg6[%add3A_434] : memref<2048xi32, #tpu.memory_space<vmem>>[vector<16xi32>], vector<16xi32>,
      %gather3A_436 = tpu.vector_load_idx %arg5[%gather3A_435] : memref<100000xf32, #tpu.memory_space<vmem>>[vector<16xi32>], vector<16xf32>,
      %add3A_437 = arith.constant 2 : i32
      %add3A_438 = vector.broadcast %add3A_437 : i32 to vector<16xi32>
      %add3A_439 = arith.addi %mul3A_424, %add3A_438 : vector<16xi32>
      %gather3A_440 = tpu.vector_load_idx %arg6[%add3A_439] : memref<2048xi32, #tpu.memory_space<vmem>>[vector<16xi32>], vector<16xi32>,
      %gather3A_441 = tpu.vector_load_idx %arg5[%gather3A_440] : memref<100000xf32, #tpu.memory_space<vmem>>[vector<16xi32>], vector<16xf32>,
      %max3A_442 = arith.maximumf %gather3A_436, %gather3A_441 : vector<16xf32>
      %add3A_443 = arith.constant 3 : i32
      %add3A_444 = vector.broadcast %add3A_443 : i32 to vector<16xi32>
      %add3A_445 = arith.addi %mul3A_424, %add3A_444 : vector<16xi32>
      %gather3A_446 = tpu.vector_load_idx %arg6[%add3A_445] : memref<2048xi32, #tpu.memory_space<vmem>>[vector<16xi32>], vector<16xi32>,
      %gather3A_447 = tpu.vector_load_idx %arg5[%gather3A_446] : memref<100000xf32, #tpu.memory_space<vmem>>[vector<16xi32>], vector<16xf32>,
      %max3A_448 = arith.maximumf %max3A_442, %gather3A_447 : vector<16xf32>
      %add3A_449 = arith.constant 4 : i32
      %add3A_450 = vector.broadcast %add3A_449 : i32 to vector<16xi32>
      %add3A_451 = arith.addi %mul3A_424, %add3A_450 : vector<16xi32>
      %gather3A_452 = tpu.vector_load_idx %arg6[%add3A_451] : memref<2048xi32, #tpu.memory_space<vmem>>[vector<16xi32>], vector<16xi32>,
      %gather3A_453 = tpu.vector_load_idx %arg5[%gather3A_452] : memref<100000xf32, #tpu.memory_space<vmem>>[vector<16xi32>], vector<16xf32>,
      %max3A_454 = arith.maximumf %max3A_448, %gather3A_453 : vector<16xf32>
      %add3A_455 = arith.constant 5 : i32
      %add3A_456 = vector.broadcast %add3A_455 : i32 to vector<16xi32>
      %add3A_457 = arith.addi %mul3A_424, %add3A_456 : vector<16xi32>
      %gather3A_458 = tpu.vector_load_idx %arg6[%add3A_457] : memref<2048xi32, #tpu.memory_space<vmem>>[vector<16xi32>], vector<16xi32>,
      %gather3A_459 = tpu.vector_load_idx %arg5[%gather3A_458] : memref<100000xf32, #tpu.memory_space<vmem>>[vector<16xi32>], vector<16xf32>,
      %max3A_460 = arith.maximumf %max3A_454, %gather3A_459 : vector<16xf32>
      %add3A_461 = arith.constant 6 : i32
      %add3A_462 = vector.broadcast %add3A_461 : i32 to vector<16xi32>
      %add3A_463 = arith.addi %mul3A_424, %add3A_462 : vector<16xi32>
      %gather3A_464 = tpu.vector_load_idx %arg6[%add3A_463] : memref<2048xi32, #tpu.memory_space<vmem>>[vector<16xi32>], vector<16xi32>,
      %gather3A_465 = tpu.vector_load_idx %arg5[%gather3A_464] : memref<100000xf32, #tpu.memory_space<vmem>>[vector<16xi32>], vector<16xf32>,
      %max3A_466 = arith.maximumf %max3A_460, %gather3A_465 : vector<16xf32>
      %add3A_467 = arith.constant 7 : i32
      %add3A_468 = vector.broadcast %add3A_467 : i32 to vector<16xi32>
      %add3A_469 = arith.addi %mul3A_424, %add3A_468 : vector<16xi32>
      %gather3A_470 = tpu.vector_load_idx %arg6[%add3A_469] : memref<2048xi32, #tpu.memory_space<vmem>>[vector<16xi32>], vector<16xi32>,
      %gather3A_471 = tpu.vector_load_idx %arg5[%gather3A_470] : memref<100000xf32, #tpu.memory_space<vmem>>[vector<16xi32>], vector<16xf32>,
      %max3A_472 = arith.maximumf %max3A_466, %gather3A_471 : vector<16xf32>
      %add3A_473 = arith.constant 8 : i32
      %add3A_474 = vector.broadcast %add3A_473 : i32 to vector<16xi32>
      %add3A_475 = arith.addi %mul3A_424, %add3A_474 : vector<16xi32>
      %gather3A_476 = tpu.vector_load_idx %arg6[%add3A_475] : memref<2048xi32, #tpu.memory_space<vmem>>[vector<16xi32>], vector<16xi32>,
      %gather3A_477 = tpu.vector_load_idx %arg5[%gather3A_476] : memref<100000xf32, #tpu.memory_space<vmem>>[vector<16xi32>], vector<16xf32>,
      %max3A_478 = arith.maximumf %max3A_472, %gather3A_477 : vector<16xf32>
      %add3A_479 = arith.constant 9 : i32
      %add3A_480 = vector.broadcast %add3A_479 : i32 to vector<16xi32>
      %add3A_481 = arith.addi %mul3A_424, %add3A_480 : vector<16xi32>
      %gather3A_482 = tpu.vector_load_idx %arg6[%add3A_481] : memref<2048xi32, #tpu.memory_space<vmem>>[vector<16xi32>], vector<16xi32>,
      %gather3A_483 = tpu.vector_load_idx %arg5[%gather3A_482] : memref<100000xf32, #tpu.memory_space<vmem>>[vector<16xi32>], vector<16xf32>,
      %max3A_484 = arith.maximumf %max3A_478, %gather3A_483 : vector<16xf32>
      %add3A_485 = arith.constant 10 : i32
      %add3A_486 = vector.broadcast %add3A_485 : i32 to vector<16xi32>
      %add3A_487 = arith.addi %mul3A_424, %add3A_486 : vector<16xi32>
      %gather3A_488 = tpu.vector_load_idx %arg6[%add3A_487] : memref<2048xi32, #tpu.memory_space<vmem>>[vector<16xi32>], vector<16xi32>,
      %gather3A_489 = tpu.vector_load_idx %arg5[%gather3A_488] : memref<100000xf32, #tpu.memory_space<vmem>>[vector<16xi32>], vector<16xf32>,
      %max3A_490 = arith.maximumf %max3A_484, %gather3A_489 : vector<16xf32>
      %add3A_491 = arith.constant 11 : i32
      %add3A_492 = vector.broadcast %add3A_491 : i32 to vector<16xi32>
      %add3A_493 = arith.addi %mul3A_424, %add3A_492 : vector<16xi32>
      %gather3A_494 = tpu.vector_load_idx %arg6[%add3A_493] : memref<2048xi32, #tpu.memory_space<vmem>>[vector<16xi32>], vector<16xi32>,
      %gather3A_495 = tpu.vector_load_idx %arg5[%gather3A_494] : memref<100000xf32, #tpu.memory_space<vmem>>[vector<16xi32>], vector<16xf32>,
      %max3A_496 = arith.maximumf %max3A_490, %gather3A_495 : vector<16xf32>
      %add3A_497 = arith.constant 12 : i32
      %add3A_498 = vector.broadcast %add3A_497 : i32 to vector<16xi32>
      %add3A_499 = arith.addi %mul3A_424, %add3A_498 : vector<16xi32>
      %gather3A_500 = tpu.vector_load_idx %arg6[%add3A_499] : memref<2048xi32, #tpu.memory_space<vmem>>[vector<16xi32>], vector<16xi32>,
      %gather3A_501 = tpu.vector_load_idx %arg5[%gather3A_500] : memref<100000xf32, #tpu.memory_space<vmem>>[vector<16xi32>], vector<16xf32>,
      %max3A_502 = arith.maximumf %max3A_496, %gather3A_501 : vector<16xf32>
      %add3A_503 = arith.constant 13 : i32
      %add3A_504 = vector.broadcast %add3A_503 : i32 to vector<16xi32>
      %add3A_505 = arith.addi %mul3A_424, %add3A_504 : vector<16xi32>
      %gather3A_506 = tpu.vector_load_idx %arg6[%add3A_505] : memref<2048xi32, #tpu.memory_space<vmem>>[vector<16xi32>], vector<16xi32>,
      %gather3A_507 = tpu.vector_load_idx %arg5[%gather3A_506] : memref<100000xf32, #tpu.memory_space<vmem>>[vector<16xi32>], vector<16xf32>,
      %max3A_508 = arith.maximumf %max3A_502, %gather3A_507 : vector<16xf32>
      %add3A_509 = arith.constant 14 : i32
      %add3A_510 = vector.broadcast %add3A_509 : i32 to vector<16xi32>
      %add3A_511 = arith.addi %mul3A_424, %add3A_510 : vector<16xi32>
      %gather3A_512 = tpu.vector_load_idx %arg6[%add3A_511] : memref<2048xi32, #tpu.memory_space<vmem>>[vector<16xi32>], vector<16xi32>,
      %gather3A_513 = tpu.vector_load_idx %arg5[%gather3A_512] : memref<100000xf32, #tpu.memory_space<vmem>>[vector<16xi32>], vector<16xf32>,
      %max3A_514 = arith.maximumf %max3A_508, %gather3A_513 : vector<16xf32>
      %add3A_515 = arith.constant 15 : i32
      %add3A_516 = vector.broadcast %add3A_515 : i32 to vector<16xi32>
      %add3A_517 = arith.addi %mul3A_424, %add3A_516 : vector<16xi32>
      %gather3A_518 = tpu.vector_load_idx %arg6[%add3A_517] : memref<2048xi32, #tpu.memory_space<vmem>>[vector<16xi32>], vector<16xi32>,
      %gather3A_519 = tpu.vector_load_idx %arg5[%gather3A_518] : memref<100000xf32, #tpu.memory_space<vmem>>[vector<16xi32>], vector<16xf32>,
      %max3A_520 = arith.maximumf %max3A_514, %gather3A_519 : vector<16xf32>
      %add3A_521 = arith.constant 16 : i32
      %add3A_522 = vector.broadcast %add3A_521 : i32 to vector<16xi32>
      %add3A_523 = arith.addi %mul3A_424, %add3A_522 : vector<16xi32>
      %gather3A_524 = tpu.vector_load_idx %arg6[%add3A_523] : memref<2048xi32, #tpu.memory_space<vmem>>[vector<16xi32>], vector<16xi32>,
      %gather3A_525 = tpu.vector_load_idx %arg5[%gather3A_524] : memref<100000xf32, #tpu.memory_space<vmem>>[vector<16xi32>], vector<16xf32>,
      %max3A_526 = arith.maximumf %max3A_520, %gather3A_525 : vector<16xf32>
      %add3A_527 = arith.constant 17 : i32
      %add3A_528 = vector.broadcast %add3A_527 : i32 to vector<16xi32>
      %add3A_529 = arith.addi %mul3A_424, %add3A_528 : vector<16xi32>
      %gather3A_530 = tpu.vector_load_idx %arg6[%add3A_529] : memref<2048xi32, #tpu.memory_space<vmem>>[vector<16xi32>], vector<16xi32>,
      %gather3A_531 = tpu.vector_load_idx %arg5[%gather3A_530] : memref<100000xf32, #tpu.memory_space<vmem>>[vector<16xi32>], vector<16xf32>,
      %max3A_532 = arith.maximumf %max3A_526, %gather3A_531 : vector<16xf32>
      %add3A_533 = arith.constant 18 : i32
      %add3A_534 = vector.broadcast %add3A_533 : i32 to vector<16xi32>
      %add3A_535 = arith.addi %mul3A_424, %add3A_534 : vector<16xi32>
      %gather3A_536 = tpu.vector_load_idx %arg6[%add3A_535] : memref<2048xi32, #tpu.memory_space<vmem>>[vector<16xi32>], vector<16xi32>,
      %gather3A_537 = tpu.vector_load_idx %arg5[%gather3A_536] : memref<100000xf32, #tpu.memory_space<vmem>>[vector<16xi32>], vector<16xf32>,
      %max3A_538 = arith.maximumf %max3A_532, %gather3A_537 : vector<16xf32>
      %add3A_539 = arith.constant 19 : i32
      %add3A_540 = vector.broadcast %add3A_539 : i32 to vector<16xi32>
      %add3A_541 = arith.addi %mul3A_424, %add3A_540 : vector<16xi32>
      %gather3A_542 = tpu.vector_load_idx %arg6[%add3A_541] : memref<2048xi32, #tpu.memory_space<vmem>>[vector<16xi32>], vector<16xi32>,
      %gather3A_543 = tpu.vector_load_idx %arg5[%gather3A_542] : memref<100000xf32, #tpu.memory_space<vmem>>[vector<16xi32>], vector<16xf32>,
      %max3A_544 = arith.maximumf %max3A_538, %gather3A_543 : vector<16xf32>
      %add3A_545 = arith.constant 20 : i32
      %add3A_546 = vector.broadcast %add3A_545 : i32 to vector<16xi32>
      %add3A_547 = arith.addi %mul3A_424, %add3A_546 : vector<16xi32>
      %gather3A_548 = tpu.vector_load_idx %arg6[%add3A_547] : memref<2048xi32, #tpu.memory_space<vmem>>[vector<16xi32>], vector<16xi32>,
      %gather3A_549 = tpu.vector_load_idx %arg5[%gather3A_548] : memref<100000xf32, #tpu.memory_space<vmem>>[vector<16xi32>], vector<16xf32>,
      %max3A_550 = arith.maximumf %max3A_544, %gather3A_549 : vector<16xf32>
      %add3A_551 = arith.constant 21 : i32
      %add3A_552 = vector.broadcast %add3A_551 : i32 to vector<16xi32>
      %add3A_553 = arith.addi %mul3A_424, %add3A_552 : vector<16xi32>
      %gather3A_554 = tpu.vector_load_idx %arg6[%add3A_553] : memref<2048xi32, #tpu.memory_space<vmem>>[vector<16xi32>], vector<16xi32>,
      %gather3A_555 = tpu.vector_load_idx %arg5[%gather3A_554] : memref<100000xf32, #tpu.memory_space<vmem>>[vector<16xi32>], vector<16xf32>,
      %max3A_556 = arith.maximumf %max3A_550, %gather3A_555 : vector<16xf32>
      %add3A_557 = arith.constant 22 : i32
      %add3A_558 = vector.broadcast %add3A_557 : i32 to vector<16xi32>
      %add3A_559 = arith.addi %mul3A_424, %add3A_558 : vector<16xi32>
      %gather3A_560 = tpu.vector_load_idx %arg6[%add3A_559] : memref<2048xi32, #tpu.memory_space<vmem>>[vector<16xi32>], vector<16xi32>,
      %gather3A_561 = tpu.vector_load_idx %arg5[%gather3A_560] : memref<100000xf32, #tpu.memory_space<vmem>>[vector<16xi32>], vector<16xf32>,
      %max3A_562 = arith.maximumf %max3A_556, %gather3A_561 : vector<16xf32>
      %add3A_563 = arith.constant 23 : i32
      %add3A_564 = vector.broadcast %add3A_563 : i32 to vector<16xi32>
      %add3A_565 = arith.addi %mul3A_424, %add3A_564 : vector<16xi32>
      %gather3A_566 = tpu.vector_load_idx %arg6[%add3A_565] : memref<2048xi32, #tpu.memory_space<vmem>>[vector<16xi32>], vector<16xi32>,
      %gather3A_567 = tpu.vector_load_idx %arg5[%gather3A_566] : memref<100000xf32, #tpu.memory_space<vmem>>[vector<16xi32>], vector<16xf32>,
      %max3A_568 = arith.maximumf %max3A_562, %gather3A_567 : vector<16xf32>
      %add3A_569 = arith.constant 24 : i32
      %add3A_570 = vector.broadcast %add3A_569 : i32 to vector<16xi32>
      %add3A_571 = arith.addi %mul3A_424, %add3A_570 : vector<16xi32>
      %gather3A_572 = tpu.vector_load_idx %arg6[%add3A_571] : memref<2048xi32, #tpu.memory_space<vmem>>[vector<16xi32>], vector<16xi32>,
      %gather3A_573 = tpu.vector_load_idx %arg5[%gather3A_572] : memref<100000xf32, #tpu.memory_space<vmem>>[vector<16xi32>], vector<16xf32>,
      %max3A_574 = arith.maximumf %max3A_568, %gather3A_573 : vector<16xf32>
      %add3A_575 = arith.constant 25 : i32
      %add3A_576 = vector.broadcast %add3A_575 : i32 to vector<16xi32>
      %add3A_577 = arith.addi %mul3A_424, %add3A_576 : vector<16xi32>
      %gather3A_578 = tpu.vector_load_idx %arg6[%add3A_577] : memref<2048xi32, #tpu.memory_space<vmem>>[vector<16xi32>], vector<16xi32>,
      %gather3A_579 = tpu.vector_load_idx %arg5[%gather3A_578] : memref<100000xf32, #tpu.memory_space<vmem>>[vector<16xi32>], vector<16xf32>,
      %max3A_580 = arith.maximumf %max3A_574, %gather3A_579 : vector<16xf32>
      %add3A_581 = arith.constant 26 : i32
      %add3A_582 = vector.broadcast %add3A_581 : i32 to vector<16xi32>
      %add3A_583 = arith.addi %mul3A_424, %add3A_582 : vector<16xi32>
      %gather3A_584 = tpu.vector_load_idx %arg6[%add3A_583] : memref<2048xi32, #tpu.memory_space<vmem>>[vector<16xi32>], vector<16xi32>,
      %gather3A_585 = tpu.vector_load_idx %arg5[%gather3A_584] : memref<100000xf32, #tpu.memory_space<vmem>>[vector<16xi32>], vector<16xf32>,
      %max3A_586 = arith.maximumf %max3A_580, %gather3A_585 : vector<16xf32>
      %add3A_587 = arith.constant 27 : i32
      %add3A_588 = vector.broadcast %add3A_587 : i32 to vector<16xi32>
      %add3A_589 = arith.addi %mul3A_424, %add3A_588 : vector<16xi32>
      %gather3A_590 = tpu.vector_load_idx %arg6[%add3A_589] : memref<2048xi32, #tpu.memory_space<vmem>>[vector<16xi32>], vector<16xi32>,
      %gather3A_591 = tpu.vector_load_idx %arg5[%gather3A_590] : memref<100000xf32, #tpu.memory_space<vmem>>[vector<16xi32>], vector<16xf32>,
      %max3A_592 = arith.maximumf %max3A_586, %gather3A_591 : vector<16xf32>
      %add3A_593 = arith.constant 28 : i32
      %add3A_594 = vector.broadcast %add3A_593 : i32 to vector<16xi32>
      %add3A_595 = arith.addi %mul3A_424, %add3A_594 : vector<16xi32>
      %gather3A_596 = tpu.vector_load_idx %arg6[%add3A_595] : memref<2048xi32, #tpu.memory_space<vmem>>[vector<16xi32>], vector<16xi32>,
      %gather3A_597 = tpu.vector_load_idx %arg5[%gather3A_596] : memref<100000xf32, #tpu.memory_space<vmem>>[vector<16xi32>], vector<16xf32>,
      %max3A_598 = arith.maximumf %max3A_592, %gather3A_597 : vector<16xf32>
      %add3A_599 = arith.constant 29 : i32
      %add3A_600 = vector.broadcast %add3A_599 : i32 to vector<16xi32>
      %add3A_601 = arith.addi %mul3A_424, %add3A_600 : vector<16xi32>
      %gather3A_602 = tpu.vector_load_idx %arg6[%add3A_601] : memref<2048xi32, #tpu.memory_space<vmem>>[vector<16xi32>], vector<16xi32>,
      %gather3A_603 = tpu.vector_load_idx %arg5[%gather3A_602] : memref<100000xf32, #tpu.memory_space<vmem>>[vector<16xi32>], vector<16xf32>,
      %max3A_604 = arith.maximumf %max3A_598, %gather3A_603 : vector<16xf32>
      %add3A_605 = arith.constant 30 : i32
      %add3A_606 = vector.broadcast %add3A_605 : i32 to vector<16xi32>
      %add3A_607 = arith.addi %mul3A_424, %add3A_606 : vector<16xi32>
      %gather3A_608 = tpu.vector_load_idx %arg6[%add3A_607] : memref<2048xi32, #tpu.memory_space<vmem>>[vector<16xi32>], vector<16xi32>,
      %gather3A_609 = tpu.vector_load_idx %arg5[%gather3A_608] : memref<100000xf32, #tpu.memory_space<vmem>>[vector<16xi32>], vector<16xf32>,
      %max3A_610 = arith.maximumf %max3A_604, %gather3A_609 : vector<16xf32>
      %add3A_611 = arith.constant 31 : i32
      %add3A_612 = vector.broadcast %add3A_611 : i32 to vector<16xi32>
      %add3A_613 = arith.addi %mul3A_424, %add3A_612 : vector<16xi32>
      %gather3A_614 = tpu.vector_load_idx %arg6[%add3A_613] : memref<2048xi32, #tpu.memory_space<vmem>>[vector<16xi32>], vector<16xi32>,
      %gather3A_615 = tpu.vector_load_idx %arg5[%gather3A_614] : memref<100000xf32, #tpu.memory_space<vmem>>[vector<16xi32>], vector<16xf32>,
      %max3A_616 = arith.maximumf %max3A_610, %gather3A_615 : vector<16xf32>
      %add3A_617 = arith.constant 32 : i32
      %add3A_618 = vector.broadcast %add3A_617 : i32 to vector<16xi32>
      %add3A_619 = arith.addi %mul3A_424, %add3A_618 : vector<16xi32>
      %gather3A_620 = tpu.vector_load_idx %arg6[%add3A_619] : memref<2048xi32, #tpu.memory_space<vmem>>[vector<16xi32>], vector<16xi32>,
      %gather3A_621 = tpu.vector_load_idx %arg5[%gather3A_620] : memref<100000xf32, #tpu.memory_space<vmem>>[vector<16xi32>], vector<16xf32>,
      %max3A_622 = arith.maximumf %max3A_616, %gather3A_621 : vector<16xf32>
      %add3A_623 = arith.constant 33 : i32
      %add3A_624 = vector.broadcast %add3A_623 : i32 to vector<16xi32>
      %add3A_625 = arith.addi %mul3A_424, %add3A_624 : vector<16xi32>
      %gather3A_626 = tpu.vector_load_idx %arg6[%add3A_625] : memref<2048xi32, #tpu.memory_space<vmem>>[vector<16xi32>], vector<16xi32>,
      %gather3A_627 = tpu.vector_load_idx %arg5[%gather3A_626] : memref<100000xf32, #tpu.memory_space<vmem>>[vector<16xi32>], vector<16xf32>,
      %max3A_628 = arith.maximumf %max3A_622, %gather3A_627 : vector<16xf32>
      %add3A_629 = arith.constant 34 : i32
      %add3A_630 = vector.broadcast %add3A_629 : i32 to vector<16xi32>
      %add3A_631 = arith.addi %mul3A_424, %add3A_630 : vector<16xi32>
      %gather3A_632 = tpu.vector_load_idx %arg6[%add3A_631] : memref<2048xi32, #tpu.memory_space<vmem>>[vector<16xi32>], vector<16xi32>,
      %gather3A_633 = tpu.vector_load_idx %arg5[%gather3A_632] : memref<100000xf32, #tpu.memory_space<vmem>>[vector<16xi32>], vector<16xf32>,
      %max3A_634 = arith.maximumf %max3A_628, %gather3A_633 : vector<16xf32>
      %add3A_635 = arith.constant 35 : i32
      %add3A_636 = vector.broadcast %add3A_635 : i32 to vector<16xi32>
      %add3A_637 = arith.addi %mul3A_424, %add3A_636 : vector<16xi32>
      %gather3A_638 = tpu.vector_load_idx %arg6[%add3A_637] : memref<2048xi32, #tpu.memory_space<vmem>>[vector<16xi32>], vector<16xi32>,
      %gather3A_639 = tpu.vector_load_idx %arg5[%gather3A_638] : memref<100000xf32, #tpu.memory_space<vmem>>[vector<16xi32>], vector<16xf32>,
      %max3A_640 = arith.maximumf %max3A_634, %gather3A_639 : vector<16xf32>
      %add3A_641 = arith.constant 36 : i32
      %add3A_642 = vector.broadcast %add3A_641 : i32 to vector<16xi32>
      %add3A_643 = arith.addi %mul3A_424, %add3A_642 : vector<16xi32>
      %gather3A_644 = tpu.vector_load_idx %arg6[%add3A_643] : memref<2048xi32, #tpu.memory_space<vmem>>[vector<16xi32>], vector<16xi32>,
      %gather3A_645 = tpu.vector_load_idx %arg5[%gather3A_644] : memref<100000xf32, #tpu.memory_space<vmem>>[vector<16xi32>], vector<16xf32>,
      %max3A_646 = arith.maximumf %max3A_640, %gather3A_645 : vector<16xf32>
      %add3A_647 = arith.constant 37 : i32
      %add3A_648 = vector.broadcast %add3A_647 : i32 to vector<16xi32>
      %add3A_649 = arith.addi %mul3A_424, %add3A_648 : vector<16xi32>
      %gather3A_650 = tpu.vector_load_idx %arg6[%add3A_649] : memref<2048xi32, #tpu.memory_space<vmem>>[vector<16xi32>], vector<16xi32>,
      %gather3A_651 = tpu.vector_load_idx %arg5[%gather3A_650] : memref<100000xf32, #tpu.memory_space<vmem>>[vector<16xi32>], vector<16xf32>,
      %max3A_652 = arith.maximumf %max3A_646, %gather3A_651 : vector<16xf32>
      %add3A_653 = arith.constant 38 : i32
      %add3A_654 = vector.broadcast %add3A_653 : i32 to vector<16xi32>
      %add3A_655 = arith.addi %mul3A_424, %add3A_654 : vector<16xi32>
      %gather3A_656 = tpu.vector_load_idx %arg6[%add3A_655] : memref<2048xi32, #tpu.memory_space<vmem>>[vector<16xi32>], vector<16xi32>,
      %gather3A_657 = tpu.vector_load_idx %arg5[%gather3A_656] : memref<100000xf32, #tpu.memory_space<vmem>>[vector<16xi32>], vector<16xf32>,
      %max3A_658 = arith.maximumf %max3A_652, %gather3A_657 : vector<16xf32>
      %add3A_659 = arith.constant 39 : i32
      %add3A_660 = vector.broadcast %add3A_659 : i32 to vector<16xi32>
      %add3A_661 = arith.addi %mul3A_424, %add3A_660 : vector<16xi32>
      %gather3A_662 = tpu.vector_load_idx %arg6[%add3A_661] : memref<2048xi32, #tpu.memory_space<vmem>>[vector<16xi32>], vector<16xi32>,
      %gather3A_663 = tpu.vector_load_idx %arg5[%gather3A_662] : memref<100000xf32, #tpu.memory_space<vmem>>[vector<16xi32>], vector<16xf32>,
      %max3A_664 = arith.maximumf %max3A_658, %gather3A_663 : vector<16xf32>
      %add3A_665 = arith.constant 40 : i32
      %add3A_666 = vector.broadcast %add3A_665 : i32 to vector<16xi32>
      %add3A_667 = arith.addi %mul3A_424, %add3A_666 : vector<16xi32>
      %gather3A_668 = tpu.vector_load_idx %arg6[%add3A_667] : memref<2048xi32, #tpu.memory_space<vmem>>[vector<16xi32>], vector<16xi32>,
      %gather3A_669 = tpu.vector_load_idx %arg5[%gather3A_668] : memref<100000xf32, #tpu.memory_space<vmem>>[vector<16xi32>], vector<16xf32>,
      %max3A_670 = arith.maximumf %max3A_664, %gather3A_669 : vector<16xf32>
      %add3A_671 = arith.constant 41 : i32
      %add3A_672 = vector.broadcast %add3A_671 : i32 to vector<16xi32>
      %add3A_673 = arith.addi %mul3A_424, %add3A_672 : vector<16xi32>
      %gather3A_674 = tpu.vector_load_idx %arg6[%add3A_673] : memref<2048xi32, #tpu.memory_space<vmem>>[vector<16xi32>], vector<16xi32>,
      %gather3A_675 = tpu.vector_load_idx %arg5[%gather3A_674] : memref<100000xf32, #tpu.memory_space<vmem>>[vector<16xi32>], vector<16xf32>,
      %max3A_676 = arith.maximumf %max3A_670, %gather3A_675 : vector<16xf32>
      %add3A_677 = arith.constant 42 : i32
      %add3A_678 = vector.broadcast %add3A_677 : i32 to vector<16xi32>
      %add3A_679 = arith.addi %mul3A_424, %add3A_678 : vector<16xi32>
      %gather3A_680 = tpu.vector_load_idx %arg6[%add3A_679] : memref<2048xi32, #tpu.memory_space<vmem>>[vector<16xi32>], vector<16xi32>,
      %gather3A_681 = tpu.vector_load_idx %arg5[%gather3A_680] : memref<100000xf32, #tpu.memory_space<vmem>>[vector<16xi32>], vector<16xf32>,
      %max3A_682 = arith.maximumf %max3A_676, %gather3A_681 : vector<16xf32>
      %add3A_683 = arith.constant 43 : i32
      %add3A_684 = vector.broadcast %add3A_683 : i32 to vector<16xi32>
      %add3A_685 = arith.addi %mul3A_424, %add3A_684 : vector<16xi32>
      %gather3A_686 = tpu.vector_load_idx %arg6[%add3A_685] : memref<2048xi32, #tpu.memory_space<vmem>>[vector<16xi32>], vector<16xi32>,
      %gather3A_687 = tpu.vector_load_idx %arg5[%gather3A_686] : memref<100000xf32, #tpu.memory_space<vmem>>[vector<16xi32>], vector<16xf32>,
      %max3A_688 = arith.maximumf %max3A_682, %gather3A_687 : vector<16xf32>
      %add3A_689 = arith.constant 44 : i32
      %add3A_690 = vector.broadcast %add3A_689 : i32 to vector<16xi32>
      %add3A_691 = arith.addi %mul3A_424, %add3A_690 : vector<16xi32>
      %gather3A_692 = tpu.vector_load_idx %arg6[%add3A_691] : memref<2048xi32, #tpu.memory_space<vmem>>[vector<16xi32>], vector<16xi32>,
      %gather3A_693 = tpu.vector_load_idx %arg5[%gather3A_692] : memref<100000xf32, #tpu.memory_space<vmem>>[vector<16xi32>], vector<16xf32>,
      %max3A_694 = arith.maximumf %max3A_688, %gather3A_693 : vector<16xf32>
      %add3A_695 = arith.constant 45 : i32
      %add3A_696 = vector.broadcast %add3A_695 : i32 to vector<16xi32>
      %add3A_697 = arith.addi %mul3A_424, %add3A_696 : vector<16xi32>
      %gather3A_698 = tpu.vector_load_idx %arg6[%add3A_697] : memref<2048xi32, #tpu.memory_space<vmem>>[vector<16xi32>], vector<16xi32>,
      %gather3A_699 = tpu.vector_load_idx %arg5[%gather3A_698] : memref<100000xf32, #tpu.memory_space<vmem>>[vector<16xi32>], vector<16xf32>,
      %max3A_700 = arith.maximumf %max3A_694, %gather3A_699 : vector<16xf32>
      %add3A_701 = arith.constant 46 : i32
      %add3A_702 = vector.broadcast %add3A_701 : i32 to vector<16xi32>
      %add3A_703 = arith.addi %mul3A_424, %add3A_702 : vector<16xi32>
      %gather3A_704 = tpu.vector_load_idx %arg6[%add3A_703] : memref<2048xi32, #tpu.memory_space<vmem>>[vector<16xi32>], vector<16xi32>,
      %gather3A_705 = tpu.vector_load_idx %arg5[%gather3A_704] : memref<100000xf32, #tpu.memory_space<vmem>>[vector<16xi32>], vector<16xf32>,
      %max3A_706 = arith.maximumf %max3A_700, %gather3A_705 : vector<16xf32>
      %add3A_707 = arith.constant 47 : i32
      %add3A_708 = vector.broadcast %add3A_707 : i32 to vector<16xi32>
      %add3A_709 = arith.addi %mul3A_424, %add3A_708 : vector<16xi32>
      %gather3A_710 = tpu.vector_load_idx %arg6[%add3A_709] : memref<2048xi32, #tpu.memory_space<vmem>>[vector<16xi32>], vector<16xi32>,
      %gather3A_711 = tpu.vector_load_idx %arg5[%gather3A_710] : memref<100000xf32, #tpu.memory_space<vmem>>[vector<16xi32>], vector<16xf32>,
      %max3A_712 = arith.maximumf %max3A_706, %gather3A_711 : vector<16xf32>
      %add3A_713 = arith.constant 48 : i32
      %add3A_714 = vector.broadcast %add3A_713 : i32 to vector<16xi32>
      %add3A_715 = arith.addi %mul3A_424, %add3A_714 : vector<16xi32>
      %gather3A_716 = tpu.vector_load_idx %arg6[%add3A_715] : memref<2048xi32, #tpu.memory_space<vmem>>[vector<16xi32>], vector<16xi32>,
      %gather3A_717 = tpu.vector_load_idx %arg5[%gather3A_716] : memref<100000xf32, #tpu.memory_space<vmem>>[vector<16xi32>], vector<16xf32>,
      %max3A_718 = arith.maximumf %max3A_712, %gather3A_717 : vector<16xf32>
      %add3A_719 = arith.constant 49 : i32
      %add3A_720 = vector.broadcast %add3A_719 : i32 to vector<16xi32>
      %add3A_721 = arith.addi %mul3A_424, %add3A_720 : vector<16xi32>
      %gather3A_722 = tpu.vector_load_idx %arg6[%add3A_721] : memref<2048xi32, #tpu.memory_space<vmem>>[vector<16xi32>], vector<16xi32>,
      %gather3A_723 = tpu.vector_load_idx %arg5[%gather3A_722] : memref<100000xf32, #tpu.memory_space<vmem>>[vector<16xi32>], vector<16xf32>,
      %max3A_724 = arith.maximumf %max3A_718, %gather3A_723 : vector<16xf32>
      %add3A_725 = arith.constant 50 : i32
      %add3A_726 = vector.broadcast %add3A_725 : i32 to vector<16xi32>
      %add3A_727 = arith.addi %mul3A_424, %add3A_726 : vector<16xi32>
      %gather3A_728 = tpu.vector_load_idx %arg6[%add3A_727] : memref<2048xi32, #tpu.memory_space<vmem>>[vector<16xi32>], vector<16xi32>,
      %gather3A_729 = tpu.vector_load_idx %arg5[%gather3A_728] : memref<100000xf32, #tpu.memory_space<vmem>>[vector<16xi32>], vector<16xf32>,
      %max3A_730 = arith.maximumf %max3A_724, %gather3A_729 : vector<16xf32>
      %add3A_731 = arith.constant 51 : i32
      %add3A_732 = vector.broadcast %add3A_731 : i32 to vector<16xi32>
      %add3A_733 = arith.addi %mul3A_424, %add3A_732 : vector<16xi32>
      %gather3A_734 = tpu.vector_load_idx %arg6[%add3A_733] : memref<2048xi32, #tpu.memory_space<vmem>>[vector<16xi32>], vector<16xi32>,
      %gather3A_735 = tpu.vector_load_idx %arg5[%gather3A_734] : memref<100000xf32, #tpu.memory_space<vmem>>[vector<16xi32>], vector<16xf32>,
      %max3A_736 = arith.maximumf %max3A_730, %gather3A_735 : vector<16xf32>
      %add3A_737 = arith.constant 52 : i32
      %add3A_738 = vector.broadcast %add3A_737 : i32 to vector<16xi32>
      %add3A_739 = arith.addi %mul3A_424, %add3A_738 : vector<16xi32>
      %gather3A_740 = tpu.vector_load_idx %arg6[%add3A_739] : memref<2048xi32, #tpu.memory_space<vmem>>[vector<16xi32>], vector<16xi32>,
      %gather3A_741 = tpu.vector_load_idx %arg5[%gather3A_740] : memref<100000xf32, #tpu.memory_space<vmem>>[vector<16xi32>], vector<16xf32>,
      %max3A_742 = arith.maximumf %max3A_736, %gather3A_741 : vector<16xf32>
      %add3A_743 = arith.constant 53 : i32
      %add3A_744 = vector.broadcast %add3A_743 : i32 to vector<16xi32>
      %add3A_745 = arith.addi %mul3A_424, %add3A_744 : vector<16xi32>
      %gather3A_746 = tpu.vector_load_idx %arg6[%add3A_745] : memref<2048xi32, #tpu.memory_space<vmem>>[vector<16xi32>], vector<16xi32>,
      %gather3A_747 = tpu.vector_load_idx %arg5[%gather3A_746] : memref<100000xf32, #tpu.memory_space<vmem>>[vector<16xi32>], vector<16xf32>,
      %max3A_748 = arith.maximumf %max3A_742, %gather3A_747 : vector<16xf32>
      %add3A_749 = arith.constant 54 : i32
      %add3A_750 = vector.broadcast %add3A_749 : i32 to vector<16xi32>
      %add3A_751 = arith.addi %mul3A_424, %add3A_750 : vector<16xi32>
      %gather3A_752 = tpu.vector_load_idx %arg6[%add3A_751] : memref<2048xi32, #tpu.memory_space<vmem>>[vector<16xi32>], vector<16xi32>,
      %gather3A_753 = tpu.vector_load_idx %arg5[%gather3A_752] : memref<100000xf32, #tpu.memory_space<vmem>>[vector<16xi32>], vector<16xf32>,
      %max3A_754 = arith.maximumf %max3A_748, %gather3A_753 : vector<16xf32>
      %add3A_755 = arith.constant 55 : i32
      %add3A_756 = vector.broadcast %add3A_755 : i32 to vector<16xi32>
      %add3A_757 = arith.addi %mul3A_424, %add3A_756 : vector<16xi32>
      %gather3A_758 = tpu.vector_load_idx %arg6[%add3A_757] : memref<2048xi32, #tpu.memory_space<vmem>>[vector<16xi32>], vector<16xi32>,
      %gather3A_759 = tpu.vector_load_idx %arg5[%gather3A_758] : memref<100000xf32, #tpu.memory_space<vmem>>[vector<16xi32>], vector<16xf32>,
      %max3A_760 = arith.maximumf %max3A_754, %gather3A_759 : vector<16xf32>
      %add3A_761 = arith.constant 56 : i32
      %add3A_762 = vector.broadcast %add3A_761 : i32 to vector<16xi32>
      %add3A_763 = arith.addi %mul3A_424, %add3A_762 : vector<16xi32>
      %gather3A_764 = tpu.vector_load_idx %arg6[%add3A_763] : memref<2048xi32, #tpu.memory_space<vmem>>[vector<16xi32>], vector<16xi32>,
      %gather3A_765 = tpu.vector_load_idx %arg5[%gather3A_764] : memref<100000xf32, #tpu.memory_space<vmem>>[vector<16xi32>], vector<16xf32>,
      %max3A_766 = arith.maximumf %max3A_760, %gather3A_765 : vector<16xf32>
      %add3A_767 = arith.constant 57 : i32
      %add3A_768 = vector.broadcast %add3A_767 : i32 to vector<16xi32>
      %add3A_769 = arith.addi %mul3A_424, %add3A_768 : vector<16xi32>
      %gather3A_770 = tpu.vector_load_idx %arg6[%add3A_769] : memref<2048xi32, #tpu.memory_space<vmem>>[vector<16xi32>], vector<16xi32>,
      %gather3A_771 = tpu.vector_load_idx %arg5[%gather3A_770] : memref<100000xf32, #tpu.memory_space<vmem>>[vector<16xi32>], vector<16xf32>,
      %max3A_772 = arith.maximumf %max3A_766, %gather3A_771 : vector<16xf32>
      %add3A_773 = arith.constant 58 : i32
      %add3A_774 = vector.broadcast %add3A_773 : i32 to vector<16xi32>
      %add3A_775 = arith.addi %mul3A_424, %add3A_774 : vector<16xi32>
      %gather3A_776 = tpu.vector_load_idx %arg6[%add3A_775] : memref<2048xi32, #tpu.memory_space<vmem>>[vector<16xi32>], vector<16xi32>,
      %gather3A_777 = tpu.vector_load_idx %arg5[%gather3A_776] : memref<100000xf32, #tpu.memory_space<vmem>>[vector<16xi32>], vector<16xf32>,
      %max3A_778 = arith.maximumf %max3A_772, %gather3A_777 : vector<16xf32>
      %add3A_779 = arith.constant 59 : i32
      %add3A_780 = vector.broadcast %add3A_779 : i32 to vector<16xi32>
      %add3A_781 = arith.addi %mul3A_424, %add3A_780 : vector<16xi32>
      %gather3A_782 = tpu.vector_load_idx %arg6[%add3A_781] : memref<2048xi32, #tpu.memory_space<vmem>>[vector<16xi32>], vector<16xi32>,
      %gather3A_783 = tpu.vector_load_idx %arg5[%gather3A_782] : memref<100000xf32, #tpu.memory_space<vmem>>[vector<16xi32>], vector<16xf32>,
      %max3A_784 = arith.maximumf %max3A_778, %gather3A_783 : vector<16xf32>
      %add3A_785 = arith.constant 60 : i32
      %add3A_786 = vector.broadcast %add3A_785 : i32 to vector<16xi32>
      %add3A_787 = arith.addi %mul3A_424, %add3A_786 : vector<16xi32>
      %gather3A_788 = tpu.vector_load_idx %arg6[%add3A_787] : memref<2048xi32, #tpu.memory_space<vmem>>[vector<16xi32>], vector<16xi32>,
      %gather3A_789 = tpu.vector_load_idx %arg5[%gather3A_788] : memref<100000xf32, #tpu.memory_space<vmem>>[vector<16xi32>], vector<16xf32>,
      %max3A_790 = arith.maximumf %max3A_784, %gather3A_789 : vector<16xf32>
      %add3A_791 = arith.constant 61 : i32
      %add3A_792 = vector.broadcast %add3A_791 : i32 to vector<16xi32>
      %add3A_793 = arith.addi %mul3A_424, %add3A_792 : vector<16xi32>
      %gather3A_794 = tpu.vector_load_idx %arg6[%add3A_793] : memref<2048xi32, #tpu.memory_space<vmem>>[vector<16xi32>], vector<16xi32>,
      %gather3A_795 = tpu.vector_load_idx %arg5[%gather3A_794] : memref<100000xf32, #tpu.memory_space<vmem>>[vector<16xi32>], vector<16xf32>,
      %max3A_796 = arith.maximumf %max3A_790, %gather3A_795 : vector<16xf32>
      %add3A_797 = arith.constant 62 : i32
      %add3A_798 = vector.broadcast %add3A_797 : i32 to vector<16xi32>
      %add3A_799 = arith.addi %mul3A_424, %add3A_798 : vector<16xi32>
      %gather3A_800 = tpu.vector_load_idx %arg6[%add3A_799] : memref<2048xi32, #tpu.memory_space<vmem>>[vector<16xi32>], vector<16xi32>,
      %gather3A_801 = tpu.vector_load_idx %arg5[%gather3A_800] : memref<100000xf32, #tpu.memory_space<vmem>>[vector<16xi32>], vector<16xf32>,
      %max3A_802 = arith.maximumf %max3A_796, %gather3A_801 : vector<16xf32>
      %add3A_803 = arith.constant 63 : i32
      %add3A_804 = vector.broadcast %add3A_803 : i32 to vector<16xi32>
      %add3A_805 = arith.addi %mul3A_424, %add3A_804 : vector<16xi32>
      %gather3A_806 = tpu.vector_load_idx %arg6[%add3A_805] : memref<2048xi32, #tpu.memory_space<vmem>>[vector<16xi32>], vector<16xi32>,
      %gather3A_807 = tpu.vector_load_idx %arg5[%gather3A_806] : memref<100000xf32, #tpu.memory_space<vmem>>[vector<16xi32>], vector<16xf32>,
      %max3A_808 = arith.maximumf %max3A_802, %gather3A_807 : vector<16xf32>
      %sub3A_809 = arith.subf %get3A_431, %max3A_808 : vector<16xf32>
      %mul3A_810 = arith.constant 32 : i32
      %mul3A_811 = arith.muli %while3A_21, %mul3A_810 : i32
      %add3A_812 = arith.constant 16 : i32
      %add3A_813 = arith.addi %mul3A_811, %add3A_812 : i32
      %swap3A_814 = arith.index_cast %add3A_813 : i32 to index
      %swap3A_815 = tpu.vector_load %arg7[%swap3A_814] {strides = array<i32>} : memref<3136xf32, #tpu.memory_space<vmem>>, vector<16xf32>,
      tpu.vector_store %arg7[%swap3A_814], %sub3A_809 {strides = array<i32>} : memref<3136xf32, #tpu.memory_space<vmem>>, vector<16xf32>,
    }
    %eq3A_14 = arith.constant 31 : i32
    %eq3A_15 = arith.cmpi eq, %add3A, %eq3A_14 : i32
    %convert_element_type3A = arith.extui %eq3A_15 : i1 to i32
    %cond3A = arith.constant 0 : i32
    %cond3A_16 = arith.cmpi ne, %convert_element_type3A, %cond3A : i32
    scf.if %cond3A_16 {
      "tpu.region"() ({
        %run_scoped3A = tpu.sem_alloc : memref<!tpu.dma_semaphore, #tpu.memory_space<semaphore_mem>>
        %dma_start3A = arith.constant 0 : i32
        %dma_start3A_21 = tpu.memref_slice %arg7[%dma_start3A] : memref<3136xf32, #tpu.memory_space<vmem>> -> memref<2784xf32, #tpu.memory_space<vmem>>
        %dma_start3A_22 = tpu.memref_slice %arg4[%mul3A_2] : memref<100000xf32, #tpu.memory_space<hbm>> -> memref<2784xf32, #tpu.memory_space<hbm>>
        %dma_start3A_23 = tpu.memref_slice %arg4[%mul3A_2] : memref<100000xf32, #tpu.memory_space<hbm>> -> memref<2784xf32, #tpu.memory_space<hbm>>
        %dma_start3A_24 = arith.constant 0 : i32
        %dma_start3A_25 = tpu.memref_slice %arg7[%dma_start3A_24] : memref<3136xf32, #tpu.memory_space<vmem>> -> memref<2784xf32, #tpu.memory_space<vmem>>
        tpu.enqueue_dma source(%dma_start3A_25 : memref<2784xf32, #tpu.memory_space<vmem>>) target(%dma_start3A_23 : memref<2784xf32, #tpu.memory_space<hbm>>) target_semaphore(%run_scoped3A : memref<!tpu.dma_semaphore, #tpu.memory_space<semaphore_mem>>)
        %dma_wait3A = arith.constant 0 : i32
        %dma_wait3A_26 = tpu.memref_slice %arg7[%dma_wait3A] : memref<3136xf32, #tpu.memory_space<vmem>> -> memref<2784xf32, #tpu.memory_space<vmem>>
        %dma_wait3A_27 = tpu.memref_slice %arg4[%mul3A_2] : memref<100000xf32, #tpu.memory_space<hbm>> -> memref<2784xf32, #tpu.memory_space<hbm>>
        %dma_wait3A_28 = tpu.memref_slice %arg4[%mul3A_2] : memref<100000xf32, #tpu.memory_space<hbm>> -> memref<2784xf32, #tpu.memory_space<hbm>>
        %dma_wait3A_29 = arith.constant 0 : i32
        %dma_wait3A_30 = tpu.memref_slice %arg7[%dma_wait3A_29] : memref<3136xf32, #tpu.memory_space<vmem>> -> memref<2784xf32, #tpu.memory_space<vmem>>
        tpu.wait_dma2 semaphore(%run_scoped3A : memref<!tpu.dma_semaphore, #tpu.memory_space<semaphore_mem>>) src(%dma_wait3A_30 : memref<2784xf32, #tpu.memory_space<vmem>>) dst(%dma_wait3A_28 : memref<2784xf32, #tpu.memory_space<hbm>>)
        tpu.yield
      }) : () -> ()
    } else {
    }
    %ne3A = arith.constant 31 : i32
    %ne3A_17 = arith.cmpi ne, %add3A, %ne3A : i32
    %convert_element_type3A_18 = arith.extui %ne3A_17 : i1 to i32
    %cond3A_19 = arith.constant 0 : i32
    %cond3A_20 = arith.cmpi ne, %convert_element_type3A_18, %cond3A_19 : i32
    scf.if %cond3A_20 {
      "tpu.region"() ({
        %run_scoped3A = tpu.sem_alloc : memref<!tpu.dma_semaphore, #tpu.memory_space<semaphore_mem>>
        %dma_start3A = tpu.memref_slice %arg4[%mul3A_2] : memref<100000xf32, #tpu.memory_space<hbm>> -> memref<3136xf32, #tpu.memory_space<hbm>>
        %dma_start3A_21 = tpu.memref_slice %arg4[%mul3A_2] : memref<100000xf32, #tpu.memory_space<hbm>> -> memref<3136xf32, #tpu.memory_space<hbm>>
        tpu.enqueue_dma source(%arg7 : memref<3136xf32, #tpu.memory_space<vmem>>) target(%dma_start3A_21 : memref<3136xf32, #tpu.memory_space<hbm>>) target_semaphore(%run_scoped3A : memref<!tpu.dma_semaphore, #tpu.memory_space<semaphore_mem>>)
        %dma_wait3A = tpu.memref_slice %arg4[%mul3A_2] : memref<100000xf32, #tpu.memory_space<hbm>> -> memref<3136xf32, #tpu.memory_space<hbm>>
        %dma_wait3A_22 = tpu.memref_slice %arg4[%mul3A_2] : memref<100000xf32, #tpu.memory_space<hbm>> -> memref<3136xf32, #tpu.memory_space<hbm>>
        tpu.wait_dma2 semaphore(%run_scoped3A : memref<!tpu.dma_semaphore, #tpu.memory_space<semaphore_mem>>) src(%arg7 : memref<3136xf32, #tpu.memory_space<vmem>>) dst(%dma_wait3A_22 : memref<3136xf32, #tpu.memory_space<hbm>>)
        tpu.yield
      }) : () -> ()
    } else {
    }
    return
  }
}

module attributes {stable_mosaic.version = 14 : i64} {
  func.func @_tc_body(%arg0: i32, %arg1: memref<1000x2xf32, #tpu.memory_space<vmem>>, %arg2: memref<1000x128xf32, #tpu.memory_space<vmem>>, %arg3: memref<1000x128xi32, #tpu.memory_space<vmem>>, %arg4: memref<1000x128xf32, #tpu.memory_space<vmem>>, %arg5: memref<1000x128xi32, #tpu.memory_space<vmem>>) attributes {dimension_semantics = [#tpu.dimension_semantics<arbitrary>], iteration_bounds = array<i64: 50>, scalar_prefetch = 0 : i64, scratch_operands = 0 : i64, tpu.core_type = #tpu.core_type<tc>, window_params = [{transform_indices = @transform_0, window_bounds = array<i64: 1000, 2>}, {transform_indices = @transform_1, window_bounds = array<i64: 1000, 128>}, {transform_indices = @transform_2, window_bounds = array<i64: 1000, 128>}, {transform_indices = @transform_3, window_bounds = array<i64: 1000, 128>}, {transform_indices = @transform_4, window_bounds = array<i64: 1000, 128>}]} {
    %get3A = arith.constant 0 : index
    %get3A_0 = arith.constant 0 : index
    %get3A_1 = vector.load %arg1[%get3A, %get3A_0] : memref<1000x2xf32, #tpu.memory_space<vmem>>, vector<1000x2xf32>
    %slice3A = vector.extract_strided_slice %get3A_1 {offsets = [0, 0], sizes = [1000, 1], strides = [1, 1]} : vector<1000x2xf32> to vector<1000x1xf32>
    %broadcast_in_dim3A = vector.shape_cast %slice3A : vector<1000x1xf32> to vector<1000x1xf32>
    %broadcast_in_dim3A_2 = vector.broadcast %broadcast_in_dim3A : vector<1000x1xf32> to vector<1000x64xf32>
    %slice3A_3 = vector.extract_strided_slice %get3A_1 {offsets = [0, 1], sizes = [1000, 1], strides = [1, 1]} : vector<1000x2xf32> to vector<1000x1xf32>
    %broadcast_in_dim3A_4 = vector.shape_cast %slice3A_3 : vector<1000x1xf32> to vector<1000x1xf32>
    %broadcast_in_dim3A_5 = vector.broadcast %broadcast_in_dim3A_4 : vector<1000x1xf32> to vector<1000x64xf32>
    %concatenate3A = tpu.concatenate %broadcast_in_dim3A_2, %broadcast_in_dim3A_5 in 1 : vector<1000x64xf32>, vector<1000x64xf32> -> vector<1000x128xf32>
    %lt3A = arith.constant 0.000000e+00 : f32
    %lt3A_6 = vector.broadcast %lt3A : f32 to vector<1000x128xf32>
    %lt3A_7 = arith.cmpf olt, %concatenate3A, %lt3A_6 : vector<1000x128xf32>
    %get3A_8 = arith.constant 0 : index
    %get3A_9 = arith.constant 0 : index
    %get3A_10 = vector.load %arg2[%get3A_8, %get3A_9] : memref<1000x128xf32, #tpu.memory_space<vmem>>, vector<1000x128xf32>
    %get3A_11 = arith.constant 0 : index
    %get3A_12 = arith.constant 0 : index
    %get3A_13 = vector.load %arg3[%get3A_11, %get3A_12] : memref<1000x128xi32, #tpu.memory_space<vmem>>, vector<1000x128xi32>
    %jit3A = arith.constant 0.000000e+00 : f32
    %broadcast_in_dim3A_14 = vector.broadcast %jit3A : f32 to vector<1000x128xf32>
    %select_n3A = arith.select %lt3A_7, %broadcast_in_dim3A_14, %get3A_10 : vector<1000x128xi1>, vector<1000x128xf32>
    %swap3A = arith.constant 0 : index
    %swap3A_15 = arith.constant 0 : index
    %swap3A_16 = vector.load %arg4[%swap3A, %swap3A_15] : memref<1000x128xf32, #tpu.memory_space<vmem>>, vector<1000x128xf32>
    tpu.vector_store %arg4[%swap3A, %swap3A_15], %select_n3A {strides = array<i32>} : memref<1000x128xf32, #tpu.memory_space<vmem>>, vector<1000x128xf32>,
    %iota3A = tpu.iota {dimensions = array<i32: 1>} : vector<1000x128xi32>
    %and3A = arith.constant 63 : i32
    %and3A_17 = vector.broadcast %and3A : i32 to vector<1000x128xi32>
    %and3A_18 = arith.andi %iota3A, %and3A_17 : vector<1000x128xi32>
    %eq3A = arith.constant 0 : i32
    %eq3A_19 = vector.broadcast %eq3A : i32 to vector<1000x128xi32>
    %eq3A_20 = arith.cmpi eq, %and3A_18, %eq3A_19 : vector<1000x128xi32>
    %jit3A_21 = arith.constant -1 : i32
    %broadcast_in_dim3A_22 = vector.broadcast %jit3A_21 : i32 to vector<1000x128xi32>
    %select_n3A_23 = arith.select %eq3A_20, %get3A_13, %broadcast_in_dim3A_22 : vector<1000x128xi1>, vector<1000x128xi32>
    %select_n3A_24 = arith.select %lt3A_7, %select_n3A_23, %get3A_13 : vector<1000x128xi1>, vector<1000x128xi32>
    %swap3A_25 = arith.constant 0 : index
    %swap3A_26 = arith.constant 0 : index
    %swap3A_27 = vector.load %arg5[%swap3A_25, %swap3A_26] : memref<1000x128xi32, #tpu.memory_space<vmem>>, vector<1000x128xi32>
    tpu.vector_store %arg5[%swap3A_25, %swap3A_26], %select_n3A_24 {strides = array<i32>} : memref<1000x128xi32, #tpu.memory_space<vmem>>, vector<1000x128xi32>,
    return
  }
  func.func @transform_0(%arg0: i32) -> (i32, i32) {
    %c0_i32 = arith.constant 0 : i32
    %c0_i32_0 = arith.constant 0 : i32
    return %arg0, %c0_i32 : i32, i32
  }
  func.func @transform_1(%arg0: i32) -> (i32, i32) {
    %c0_i32 = arith.constant 0 : i32
    %c0_i32_0 = arith.constant 0 : i32
    return %arg0, %c0_i32 : i32, i32
  }
  func.func @transform_2(%arg0: i32) -> (i32, i32) {
    %c0_i32 = arith.constant 0 : i32
    %c0_i32_0 = arith.constant 0 : i32
    return %arg0, %c0_i32 : i32, i32
  }
  func.func @transform_3(%arg0: i32) -> (i32, i32) {
    %c0_i32 = arith.constant 0 : i32
    %c0_i32_0 = arith.constant 0 : i32
    return %arg0, %c0_i32 : i32, i32
  }
  func.func @transform_4(%arg0: i32) -> (i32, i32) {
    %c0_i32 = arith.constant 0 : i32
    %c0_i32_0 = arith.constant 0 : i32
    return %arg0, %c0_i32 : i32, i32
  }
}

</mosaic_0001>

<sc_bundles>
// kernel: kernel.4.cloned.1.call-start
scs
__scs_entry_jumppad:
0x0: {  	(pc) =	sbr.rel $0x88, $3  }
0x1: {  	(tag) =	ssettag $0x0;
	lr =	simm.s32 $0x1  }
0x2: {  	[smem:$0x3F9E] =	sst lr;
	_ =	strace $0xD0000000  }
0x3: {  	_ = 	snop  }
0x4: {  	_ = 	snop  }
0x5: {  	_ = 	snop  }
0x6: {  	_ = 	snop  }
0x7: {  	_ = 	snop  }
__scs_overlays_trampoline_lowered:
0x8: {  	[smem:$0x3FAD] =	sst s0  }
0x9: {  	[smem:$0x3FAE] =	sst s1  }
0xa: {  	[smem:$0x3FAF] =	sst s2  }
0xb: {  	[smem:$0x3FB0] =	sst s3  }
0xc: {  	[smem:$0x3FB1] =	sst s4  }
0xd: {  	[smem:$0x3FB2] =	sst s5  }
0xe: {  	[smem:$0x3FB3] =	sst s6  }
0xf: {  	[smem:$0x3FB4] =	sst s7  }
0x10: {  	[smem:$0x3FB5] =	sst s8  }
0x11: {  	[smem:$0x3FB6] =	sst s9;
	s0 =	simm.s32 @!p0 $0x0  }
0x12: {  	s1 =	sld [smem:$0x3F9C];
	s0 =	simm.s32 @p0 $0x1  }
0x13: {  	[smem:$0x3FB7] =	sst s0;
	s0 =	simm.s32 @!p1 $0x0  }
0x14: {  	s2 =	sld [smem:$0x3F9B];
	s0 =	simm.s32 @p1 $0x1  }
0x15: {  	[smem:$0x3FB8] =	sst s0;
	s0 =	simm.s32 @!p2 $0x0  }
0x16: {  	s3 =	sld [smem:$0x3FDB];
	s0 =	simm.s32 @p2 $0x1  }
0x17: {  	s4 =	simm.s32 $0x1BF5;
	[smem:$0x3FBA] =	sst s0  }
0x18: {  	s0 =	sld [smem:$0x3F9D];
	_ =	swait.ge [sflag:s4], $0x0  }
0x19: {  	s7 =	sld [smem:$0x3F9E]  }
0x1a: {  	s8 =	sadd.s32 $0xFFFFE003, lr  }
0x1b: {  	s9 =	sadd.s32 $0xFFFFFEF7, lr;
	s5 =	simm.s32 $0xFFFFFFFF;
	p2 =	slt.u32 s8, $0xFFFFF086  }
0x1c: {  	p1 =	slt.u32 s9, $0xF7A;
	s5 =	simm.s32 @!p2 $0x0  }
0x1d: {  	s5 =	simm.s32 @p1 $0x1;
	p0 =	seq.s32 s7, s2  }
0x1e: {  	s7 =	smul.u32 @!p0 $0xF7A, s2;
	p2 =	seq.s32 @!p0 s5, $0x0  }
0x1f: {  	s9 =	smul.u32 $0xF7A, s1;
	s8 =	simm.s32 @!p0 $0x1BF5;
	p2 =	por !p2, p0  }
0x20: {  	[sflag:s8] =	ssyncset.s32 @!p0 $0xFFFFF086;
	s6 =	sadd.s32 @!p0 s3, s7;
	s7 =	simm.s32 @!p0 $0x108  }
0x21: {  	s3 =	sadd.s32 s3, s9;
	s6 =	sadd.s32 @!p0 $0x88, s6;
	s7 =	simm.s32 @p2 $0x1082  }
0x22: {  	[simem:s7], [sflag:s8] =	dma.local @!p0 [hbm:s6], $0xF7A  }
0x23: {  	s9 =	sor.u32 $0xD0000000, s2;
	s6 =	simm.s32 $0x108;
	_ =	swait.ge @!p0 [sflag:s8], $0x0  }
0x24: {  	s3 =	sadd.s32 $0x88, s3;
	s6 =	simm.s32 @!p1 $0x1082;
	[sflag:s4] =	ssyncset.s32 $0xFFFFF086  }
0x25: {  	[simem:s6], [sflag:s4] =	dma.local [hbm:s3], $0xF7A  }
0x26: {  	[smem:$0x3F9E] =	sst s1;
	(tag) =	ssettag s2;
	_ =	strace s9  }
0x27: {  	s1 =	sld [smem:$0x3FAE]  }
0x28: {  	s2 =	sld [smem:$0x3FAF]  }
0x29: {  	s4 =	sld [smem:$0x3FB1]  }
0x2a: {  	p0 =	seq.s32 s5, $0x0;
	s5 =	sld [smem:$0x3FB2]  }
0x2b: {  	s6 =	sld [smem:$0x3FB3]  }
0x2c: {  	s7 =	sld [smem:$0x3FB4]  }
0x2d: {  	s3 =	simm.s32 $0x108;
	s8 =	sld [smem:$0x3FB5]  }
0x2e: {  	s3 =	simm.s32 @!p0 $0x1082;
	s9 =	sld [smem:$0x3FB6]  }
0x2f: {  	lr =	sadd.s32 s0, s3;
	s0 =	sld [smem:$0x3FAD]  }
0x30: {  	s3 =	sld [smem:$0x3FB0]  }
0x31: {  	[smem:$0x3FB9] =	sst s10  }
0x32: {  	s10 =	sld [smem:$0x3FB7];
	_ =	sdelay $0x3  }
0x33: {  	p0 =	seq.s32 s10, $0x1;
	s10 =	sld [smem:$0x3FB9];
	_ =	sdelay $0x3  }
0x34: {  	[smem:$0x3FB9] =	sst s10  }
0x35: {  	s10 =	sld [smem:$0x3FB8];
	_ =	sdelay $0x3  }
0x36: {  	p1 =	seq.s32 s10, $0x1;
	s10 =	sld [smem:$0x3FB9];
	_ =	sdelay $0x3  }
0x37: {  	[smem:$0x3FB9] =	sst s10  }
0x38: {  	s10 =	sld [smem:$0x3FBA]  }
0x39: {  	_ = 	snop;
	(pc) =	sbr.ind lr, $3  }
0x3a: {  	_ = 	snop  }
0x3b: {  	_ = 	snop  }
0x3c: {  	p2 =	seq.s32 s10, $0x1;
	s10 =	sld [smem:$0x3FB9]  }
0x3d: {  	_ =	shalt  }
0x3e: {  	_ =	shalt  }
0x3f: {  	_ =	shalt  }
0x40: {  	_ =	shalt  }
0x41: {  	_ =	shalt  }
0x42: {  	_ =	shalt  }
0x43: {  	_ =	shalt  }
0x44: {  	_ =	shalt  }
0x45: {  	_ =	shalt  }
0x46: {  	_ =	shalt  }
0x47: {  	_ =	shalt  }
0x48: {  	_ =	shalt  }
0x49: {  	_ =	shalt  }
0x4a: {  	_ =	shalt  }
0x4b: {  	_ =	shalt  }
0x4c: {  	_ =	shalt  }
0x4d: {  	_ =	shalt  }
0x4e: {  	_ =	shalt  }
0x4f: {  	_ =	shalt  }
0x50: {  	_ =	shalt  }
0x51: {  	_ =	shalt  }
0x52: {  	_ =	shalt  }
0x53: {  	_ =	shalt  }
0x54: {  	_ =	shalt  }
0x55: {  	_ =	shalt  }
0x56: {  	_ =	shalt  }
0x57: {  	_ =	shalt  }
0x58: {  	_ =	shalt  }
0x59: {  	_ =	shalt  }
0x5a: {  	_ =	shalt  }
0x5b: {  	_ =	shalt  }
0x5c: {  	_ =	shalt  }
0x5d: {  	_ =	shalt  }
0x5e: {  	_ =	shalt  }
0x5f: {  	_ =	shalt  }
0x60: {  	_ =	shalt  }
0x61: {  	_ =	shalt  }
0x62: {  	_ =	shalt  }
0x63: {  	_ =	shalt  }
0x64: {  	_ =	shalt  }
0x65: {  	_ =	shalt  }
0x66: {  	_ =	shalt  }
0x67: {  	_ =	shalt  }
0x68: {  	_ =	shalt  }
0x69: {  	_ =	shalt  }
0x6a: {  	_ =	shalt  }
0x6b: {  	_ =	shalt  }
0x6c: {  	_ =	shalt  }
0x6d: {  	_ =	shalt  }
0x6e: {  	_ =	shalt  }
0x6f: {  	_ =	shalt  }
0x70: {  	_ =	shalt  }
0x71: {  	_ =	shalt  }
0x72: {  	_ =	shalt  }
0x73: {  	_ =	shalt  }
0x74: {  	_ =	shalt  }
0x75: {  	_ =	shalt  }
0x76: {  	_ =	shalt  }
0x77: {  	_ =	shalt  }
0x78: {  	_ =	shalt  }
0x79: {  	_ =	shalt  }
0x7a: {  	_ =	shalt  }
0x7b: {  	_ =	shalt  }
0x7c: {  	_ =	shalt  }
0x7d: {  	_ =	shalt  }
0x7e: {  	_ =	shalt  }
0x7f: {  	_ =	shalt  }
0x80: {  	_ =	shalt  }
0x81: {  	_ =	shalt  }
0x82: {  	_ =	shalt  }
0x83: {  	_ =	shalt  }
0x84: {  	_ =	shalt  }
0x85: {  	_ =	shalt  }
0x86: {  	_ =	shalt  }
0x87: {  	_ =	shalt  }
.Lfunc_end0:
.L_simem_size_0:
called_computation_lowered:
.L_overlay_start_0:
0x88: {  	s2 =	sld [smem:$0x3FD9]  }
0x89: {  	s3 =	sld [smem:$0x3FFE];
	_ =	sdelay $0x1  }
0x8a: {  	s1 =	srdreg.scid  }
0x8b: {  	s0 =	sand.u32 $0x1, s1  }
0x8c: {  	s14 =	sshll.u32 s0, $0xA;
	s2 =	sadd.s32 s3, s2  }
0x8d: {  	s2 =	sadd.s32 s2, s14  }
0x8e: {  	[smem:$0x3FC5] =	sst s2  }
0x8f: {  	_ = 	snop  }
0x90: {  	s2 =	sld [smem:$0x3FD0];
	_ =	sdelay $0x2  }
0x91: {  	s15 =	simm.s32 $0xA;
	s4 =	simm.s32 $0x10  }
0x92: {  	[smem:s4], [sflag:s15] =	dma.local [hbm:s2], $0x1  }
0x93: {  	_ =	swait.eq [sflag:s15], $0x1  }
0x94: {  	[sflag:s15] =	ssyncset.done $0x0  }
0x95: {  	[sflag:s15] =	ssyncadd.s32 $0xFFFFFFFF  }
0x96: {  	s16 =	sld [smem:$0x11];
	(tm) =	ssettm $0x1  }
0x97: {  	s17 =	sld [smem:$0x3FFB];
	_ =	sdelay $0x3  }
0x98: {  	_ =	strace s17  }
0x99: {  	s3 =	sld [smem:$0x3FFC];
	_ =	sdelay $0x3  }
0x9a: {  	_ =	strace s3  }
0x9b: {  	s3 =	sld [smem:$0x3FFD];
	_ =	sdelay $0x3  }
0x9c: {  	_ =	strace s3  }
0x9d: {  	_ =	strace $0x8FFFFFFF  }
0x9e: {  	s18 =	sld [smem:$0x3FDB];
	_ =	sdelay $0x1  }
0x9f: {  	s19 =	simm.s32 $_scs_section_size  }
0xa0: {  	s5 =	simm.s32 $_size__tile_overlayer_lowered;
	s6 =	simm.s32 $_tile_overlayer_lowered  }
0xa1: {  	s22 =	simm.s32 $0x1BFF;
	s21 =	sshll.u32 s6, $0x1;
	s3 =	sadd.s32 s19, s18  }
0xa2: {  	s7 =	simm.s32 $0x0;
	s20 =	sshll.u32 s5, $0x1;
	s5 =	sadd.s32 s21, s3  }
0xa3: {  	[timem:s7], [sflag:s22] =	dma.local [hbm:s5], s20  }
0xa4: {  	_ =	swait.ge [sflag:s22], s20  }
0xa5: {  	s4 =	ssub.s32 $0x0, s20;
	[sflag:s22] =	ssyncset.done $0x0  }
0xa6: {  	[sflag:s22] =	ssyncadd.s32 s4;
	_ =	sdelay $0x1  }
0xa7: {  	s23 =	simm.s32 $0x1B8B  }
0xa8: {  	_ =	swait.ge [sflag:s23], $0x1  }
0xa9: {  	[sflag:s23] =	ssyncset.done $0x0  }
0xaa: {  	s25 =	simm.s32 $0x1B8E;
	s24 =	sld [smem:$0x3FFE];
	[sflag:s23] =	ssyncadd.s32 $0xFFFFFFFF  }
0xab: {  	s26 =	simm.s32 $execute0_lowered;
	[smem:$0x3FD2] =	sst s25  }
0xac: {  	s5 =	sshll.u32 s26, $0x1;
	_ =	strace $0x80000046;
	[dreg:$0x1] =	wrdreg $0xFFFFFFFF  }
0xad: {  	s28 =	simm.s32 $_size_execute0_lowered;
	s3 =	sadd.s32 s3, s5;
	[dreg:$0x0] =	wrdreg $0x0  }
0xae: {  	s5 =	sshll.u32 s28, $0x1;
	[dreg:$0x2] =	wrdreg s3  }
0xaf: {  	[dreg:$0x3] =	wrdreg s5  }
0xb0: {  	[dreg:$0x4] =	wrdreg $0xC0  }
0xb1: {  	_ =	task [dreg:s7], $0x5FFFF  }
0xb2: {  	[dreg:$0x1] =	wrdreg $0xFFFFFFFF  }
0xb3: {  	[dreg:$0x0] =	wrdreg $0x60  }
0xb4: {  	[dreg:$0x2] =	wrdreg s24  }
0xb5: {  	[dreg:$0x3] =	wrdreg s16  }
0xb6: {  	[dreg:$0x4] =	wrdreg $0x9  }
0xb7: {  	_ =	task.clear_ibuf [dreg:s7], $0x5FFFF;
	_ =	strace $0x90000046  }
0xb8: {  	s29 =	simm.s32 $0x9;
	_ =	strace $0x80000048  }
0xb9: {  	_ =	swait.ge [sflag:s29], $0x1  }
0xba: {  	[sflag:s29] =	ssyncadd.s32 $0xFFFFFFFF  }
0xbb: {  	_ =	strace $0x90000048  }
0xbc: {  	_ =	sfence  }
0xbd: {  	s30 =	sld [smem:$0x0];
	_ =	sdelay $0x2  }
0xbe: {  	s31 =	sshll.u32 s1, $0xD;
	s1 =	sshrl.u32 s1, $0x2  }
0xbf: {  	s3 =	sand.u32 $0x4000, s31;
	s1 =	sadd.s32 s1, s30  }
0xc0: {  	s0 =	sor.u32 s3, s0;
	s1 =	sshll.u32 s1, $0x11  }
0xc1: {  	s0 =	sor.u32 s1, s0  }
0xc2: {  	s0 =	sadd.s32 $0x8F2B, s0  }
0xc3: {  	[sflag:s0] =	ssyncadd.remote.s32 $0x1  }
0xc4: {  	_ =	sfence.sel $0xFFFF  }
0xc5: {  	[dreg:$0x0] =	wrdreg $0xFFFFFFFF;
	(pc) =	sbr.abs _section_cstart, $3  }
0xc6: {  	[dreg:$0x1] =	wrdreg $0xFFFFFFFF  }
0xc7: {  	_ =	task.clear_ibuf [dreg:s7], $0x2FFFF;
	_ =	strace $0x9FFFFFFF  }
0xc8: {  	(tm) =	ssettm $0x7FFFFFFF  }
0xc9: {  	_ =	shalt  }
tec
execute0_lowered:
.L_overlay_start_1:
0x0: {  	(tag) =	ssettag $0x1  }
0x1: {  	v0 =	vlaneseq.u32  }
0x2: {  	s6 =	rddreg [dreg:$0x0];
	v0 =	vmul.u32 $0x40, v0  }
0x3: {  	s8 =	rddreg [dreg:$0x1];
	s2 =	simm.s32 $0x0  }
0x4: {  	[smem:$0x7FF] =	sst s2;
	v16 =	vor.u32 $0x28, v0  }
0x5: {  	s0 =	rddreg [dreg:$0x2];
	_ =	strace $0x80000047;
	v37 =	vor.u32 $0x29, v0;
	[tilespmem:$0x1FD90] =	vst v16  }
0x6: {  	v38 =	vor.u32 $0x2A, v0;
	[tilespmem:$0x1FDA0] =	vst v37  }
0x7: {  	v40 =	vor.u32 $0x2B, v0;
	[tilespmem:$0x1FDB0] =	vst v38  }
0x8: {  	v20 =	vor.u32 $0x2C, v0;
	[tilespmem:$0x1FDC0] =	vst v40  }
0x9: {  	v21 =	vor.u32 $0x2D, v0;
	[tilespmem:$0x1FDD0] =	vst v20  }
0xa: {  	v22 =	vor.u32 $0x2E, v0;
	[tilespmem:$0x1FDE0] =	vst v21  }
0xb: {  	v23 =	vor.u32 $0x2F, v0;
	[tilespmem:$0x1FDF0] =	vst v22  }
0xc: {  	v24 =	vor.u32 $0x30, v0;
	[tilespmem:$0x1FE00] =	vst v23  }
0xd: {  	v25 =	vor.u32 $0x31, v0;
	[tilespmem:$0x1FE10] =	vst v24  }
0xe: {  	v26 =	vor.u32 $0x32, v0;
	[tilespmem:$0x1FE20] =	vst v25  }
0xf: {  	v27 =	vor.u32 $0x33, v0;
	[tilespmem:$0x1FE30] =	vst v26  }
0x10: {  	v28 =	vor.u32 $0x34, v0;
	[tilespmem:$0x1FE40] =	vst v27  }
0x11: {  	v29 =	vor.u32 $0x35, v0;
	[tilespmem:$0x1FE50] =	vst v28  }
0x12: {  	v30 =	vor.u32 $0x36, v0;
	[tilespmem:$0x1FE60] =	vst v29  }
0x13: {  	v31 =	vor.u32 $0x37, v0;
	[tilespmem:$0x1FE70] =	vst v30  }
0x14: {  	v32 =	vor.u32 $0x38, v0;
	[tilespmem:$0x1FE80] =	vst v31  }
0x15: {  	v33 =	vor.u32 $0x39, v0;
	[tilespmem:$0x1FE90] =	vst v32  }
0x16: {  	v34 =	vor.u32 $0x3A, v0;
	[tilespmem:$0x1FEA0] =	vst v33  }
0x17: {  	v35 =	vor.u32 $0x3B, v0;
	[tilespmem:$0x1FEB0] =	vst v34  }
0x18: {  	v36 =	vor.u32 $0x3C, v0;
	[tilespmem:$0x1FEC0] =	vst v35  }
0x19: {  	v1 =	vor.u32 $0x1, v0;
	[tilespmem:$0x1FED0] =	vst v36  }
0x1a: {  	v2 =	vor.u32 $0x2, v0;
	[tilespmem:$0x1FF10] =	vst v1  }
0x1b: {  	v3 =	vor.u32 $0x3, v0;
	[tilespmem:$0x1FF20] =	vst v2  }
0x1c: {  	v4 =	vor.u32 $0x4, v0;
	[tilespmem:$0x1FF30] =	vst v3  }
0x1d: {  	v5 =	vor.u32 $0x5, v0;
	[tilespmem:$0x1FF40] =	vst v4  }
0x1e: {  	v6 =	vor.u32 $0x6, v0;
	[tilespmem:$0x1FF50] =	vst v5  }
0x1f: {  	s3 =	srdreg.scid;
	v7 =	vor.u32 $0x7, v0;
	[tilespmem:$0x1FF60] =	vst v6  }
0x20: {  	s1 =	stileid.u32;
	s7 =	sand.u32 $0x1, s3;
	s3 =	sadd.s32 $0x18A600, s6;
	v8 =	vor.u32 $0x8, v0;
	v9 =	vor.u32 $0x9, v0;
	[tilespmem:$0x1FF70] =	vst v7  }
0x21: {  	s9 =	smul.u32 $0x6200, s1;
	v10 =	vor.u32 $0xA, v0;
	v11 =	vor.u32 $0xB, v0;
	v12 =	vor.u32 $0xC, v0;
	[tilespmem:$0x1FF80] =	vst v8  }
0x22: {  	s30 =	smul.u32 $0xC400, s1;
	v13 =	vor.u32 $0xD, v0;
	v14 =	vor.u32 $0xE, v0;
	v15 =	vor.u32 $0xF, v0;
	[tilespmem:$0x1FF90] =	vst v9  }
0x23: {  	s28 =	sshll.u32 s1, $0x1;
	s11 =	smul.u32 $0x3100, s7;
	v55 =	vor.u32 $0x10, v0;
	v56 =	vor.u32 $0x11, v0;
	v57 =	vor.u32 $0x12, v0;
	[tilespmem:$0x1FFA0] =	vst v10  }
0x24: {  	s12 =	sor.u32 s7, s28;
	s5 =	ssub.s32 $0x2, s7;
	s31 =	smul.u32 $0x6200, s7;
	v58 =	vor.u32 $0x13, v0;
	v59 =	vor.u32 $0x14, v0;
	v60 =	vor.u32 $0x15, v0;
	[tilespmem:$0x1FFB0] =	vst v11  }
0x25: {  	v61 =	vor.u32 $0x16, v0;
	v62 =	vor.u32 $0x17, v0;
	v48 =	vor.u32 $0x1A, v0;
	s4 =	smul.u32 $0xC40, s12;
	s29 =	sshrl.u32 s5, $0x1;
	[tilespmem:$0x1FFC0] =	vst v12  }
0x26: {  	v49 =	vor.u32 $0x1B, v0;
	v50 =	vor.u32 $0x1C, v0;
	v51 =	vor.u32 $0x1D, v0;
	p0 =	seq.s32 s12, $0x1F;
	s13 =	ssub.s32 s5, s29;
	s9 =	sadd.s32 s11, s9;
	[tilespmem:$0x1FFD0] =	vst v13  }
0x27: {  	v52 =	vor.u32 $0x1E, v0;
	v53 =	vor.u32 $0x1F, v0;
	v45 =	vor.u32 $0x20, v0;
	s11 =	simm.s32 $0x18700;
	[tilespmem:$0x1FFE0] =	vst v14;
	s4 =	sshrl.u32 s4, $0x3;
	s7 =	smax.u32 s13, $0x1  }
0x28: {  	v54 =	vor.u32 $0x19, v0;
	v46 =	vor.u32 $0x21, v0;
	v37 =	vor.u32 $0x3D, v0;
	[tilespmem:$0x1FFF0] =	vst v15;
	s10 =	sadd.s32 s4, s6;
	s4 =	simm.s32 $0x57;
	s6 =	sadd.s32 $0x190778, s6  }
0x29: {  	v63 =	vor.u32 $0x18, v0;
	v47 =	vor.u32 $0x22, v0;
	v38 =	vor.u32 $0x3E, v0;
	s9 =	sor.u32 $0x40, s9;
	[tilespmem:$0x1FEE0] =	vst v37;
	s5 =	sadd.s32 $0x18D800, s10;
	s4 =	simm.s32 @!p0 $0x62  }
0x2a: {  	v44 =	vor.u32 $0x23, v0;
	v41 =	vor.u32 $0x24, v0;
	v40 =	vor.u32 $0x3F, v0;
	[tilespmem:$0x1FEF0] =	vst v38;
	s10 =	sadd.s32 s30, s8;
	s8 =	sshrl.u32 s9, $0x2;
	p0 =	sne.s32 s12, $0x1F  }
0x2b: {  	v42 =	vor.u32 $0x25, v0;
	v43 =	vor.u32 $0x26, v0;
	v39 =	vor.u32 $0x27, v0;
	[tilespmem:$0x1FF00] =	vst v40;
	s12 =	simm.s32 $0x0;
	s9 =	sadd.s32 s31, s10;
	s10 =	simm.s32 $0x1  }
.LBB2_1:
0x2c: {  	[tilespmem:s2], [sflag:$0x1] =	stream.linear.gather [hbm4b:s3+s2], $0x18700, $0x38;
	[tilespmem:$0x19B80] =	vst v63  }
0x2d: {  	_ =	swait.ge [sflag:s10], $0x18700  }
0x2e: {  	s13 =	simm.s32 $0x18F10;
	s14 =	smov.u32 s9;
	[sflag:s10] =	ssyncset.done $0x0  }
0x2f: {  	s15 =	smov.u32 s8;
	s16 =	smov.u32 s4;
	[sflag:s10] =	ssyncadd.s32 $0xFFFE7900  }
.LBB2_2:
0x30: {  	[tilespmem:s11], [sflag:$0x1] =	stream.linear.gather [hbm4b:s14+s2], $0x800, $0x38;
	[tilespmem:$0x19B80] =	vst v63  }
0x31: {  	_ =	swait.ge [sflag:s10], $0x800  }
0x32: {  	v1 =	vld [tilespmem:$0x1FF10]  }
0x33: {  	v2 =	vld [tilespmem:$0x1FF20]  }
0x34: {  	v3 =	vld [tilespmem:$0x1FF30]  }
0x35: {  	v4 =	vld [tilespmem:$0x1FF40]  }
0x36: {  	v5 =	vld [tilespmem:$0x1FF50]  }
0x37: {  	v6 =	vld [tilespmem:$0x1FF60]  }
0x38: {  	v7 =	vld [tilespmem:$0x1FF70]  }
0x39: {  	v8 =	vld [tilespmem:$0x1FF80]  }
0x3a: {  	v9 =	vld [tilespmem:$0x1FF90]  }
0x3b: {  	v10 =	vld [tilespmem:$0x1FFA0]  }
0x3c: {  	v11 =	vld [tilespmem:$0x1FFB0]  }
0x3d: {  	v12 =	vld [tilespmem:$0x1FFC0]  }
0x3e: {  	v13 =	vld [tilespmem:$0x1FFD0]  }
0x3f: {  	v14 =	vld [tilespmem:$0x1FFE0]  }
0x40: {  	[sflag:s10] =	ssyncset.done $0x0;
	v15 =	vld [tilespmem:$0x1FFF0]  }
0x41: {  	v40 =	vld [tilespmem:$0x1FDC0];
	[sflag:s10] =	ssyncadd.s32 $0xFFFFF800  }
0x42: {  	v16 =	vld.idx.msk [tilespmem:v55+s11+$0x0], $0xffff  }
0x43: {  	v17 =	vld.idx.msk [tilespmem:v56+s11+$0x0], $0xffff  }
0x44: {  	v18 =	vld.idx.msk [tilespmem:v57+s11+$0x0], $0xffff  }
0x45: {  	v19 =	vld.idx.msk [tilespmem:v58+s11+$0x0], $0xffff  }
0x46: {  	v20 =	vld.idx.msk [tilespmem:v59+s11+$0x0], $0xffff  }
0x47: {  	v21 =	vld.idx.msk [tilespmem:v60+s11+$0x0], $0xffff  }
0x48: {  	v22 =	vld.idx.msk [tilespmem:v61+s11+$0x0], $0xffff  }
0x49: {  	v23 =	vld.idx.msk [tilespmem:v62+s11+$0x0], $0xffff  }
0x4a: {  	v24 =	vld.idx.msk [tilespmem:v63+s11+$0x0], $0xffff  }
0x4b: {  	v25 =	vld.idx.msk [tilespmem:v54+s11+$0x0], $0xffff  }
0x4c: {  	v26 =	vld.idx.msk [tilespmem:v48+s11+$0x0], $0xffff  }
0x4d: {  	v27 =	vld.idx.msk [tilespmem:v49+s11+$0x0], $0xffff  }
0x4e: {  	v28 =	vld.idx.msk [tilespmem:v50+s11+$0x0], $0xffff  }
0x4f: {  	v29 =	vld.idx.msk [tilespmem:v51+s11+$0x0], $0xffff  }
0x50: {  	v30 =	vld.idx.msk [tilespmem:v52+s11+$0x0], $0xffff  }
0x51: {  	v31 =	vld.idx.msk [tilespmem:v53+s11+$0x0], $0xffff  }
0x52: {  	v32 =	vld.idx.msk [tilespmem:v45+s11+$0x0], $0xffff  }
0x53: {  	v33 =	vld.idx.msk [tilespmem:v46+s11+$0x0], $0xffff  }
0x54: {  	v34 =	vld.idx.msk [tilespmem:v47+s11+$0x0], $0xffff  }
0x55: {  	v35 =	vld.idx.msk [tilespmem:v44+s11+$0x0], $0xffff  }
0x56: {  	v36 =	vld.idx.msk [tilespmem:v41+s11+$0x0], $0xffff  }
0x57: {  	v37 =	vld.idx.msk [tilespmem:v42+s11+$0x0], $0xffff  }
0x58: {  	v38 =	vld.idx.msk [tilespmem:v43+s11+$0x0], $0xffff  }
0x59: {  	v1 =	vld.idx.msk [tilespmem:v1+s11+$0x0], $0xffff  }
0x5a: {  	v2 =	vld.idx.msk [tilespmem:v2+s11+$0x0], $0xffff  }
0x5b: {  	v3 =	vld.idx.msk [tilespmem:v3+s11+$0x0], $0xffff  }
0x5c: {  	v4 =	vld.idx.msk [tilespmem:v4+s11+$0x0], $0xffff  }
0x5d: {  	v5 =	vld.idx.msk [tilespmem:v5+s11+$0x0], $0xffff  }
0x5e: {  	v6 =	vld.idx.msk [tilespmem:v6+s11+$0x0], $0xffff  }
0x5f: {  	v7 =	vld.idx.msk [tilespmem:v7+s11+$0x0], $0xffff  }
0x60: {  	v8 =	vld.idx.msk [tilespmem:v8+s11+$0x0], $0xffff  }
0x61: {  	v9 =	vld.idx.msk [tilespmem:v9+s11+$0x0], $0xffff  }
0x62: {  	v10 =	vld.idx.msk [tilespmem:v10+s11+$0x0], $0xffff  }
0x63: {  	v11 =	vld.idx.msk [tilespmem:v11+s11+$0x0], $0xffff  }
0x64: {  	v12 =	vld.idx.msk [tilespmem:v12+s11+$0x0], $0xffff  }
0x65: {  	v13 =	vld.idx.msk [tilespmem:v13+s11+$0x0], $0xffff  }
0x66: {  	v14 =	vld.idx.msk [tilespmem:v14+s11+$0x0], $0xffff  }
0x67: {  	v15 =	vld.idx.msk [tilespmem:v15+s11+$0x0], $0xffff  }
0x68: {  	v16 =	vld.idx.msk [tilespmem:v16+s2+$0x0], $0xffff  }
0x69: {  	v17 =	vld.idx.msk [tilespmem:v17+s2+$0x0], $0xffff  }
0x6a: {  	v18 =	vld.idx.msk [tilespmem:v18+s2+$0x0], $0xffff  }
0x6b: {  	v19 =	vld.idx.msk [tilespmem:v19+s2+$0x0], $0xffff  }
0x6c: {  	v20 =	vld.idx.msk [tilespmem:v20+s2+$0x0], $0xffff  }
0x6d: {  	v21 =	vld.idx.msk [tilespmem:v21+s2+$0x0], $0xffff  }
0x6e: {  	v22 =	vld.idx.msk [tilespmem:v22+s2+$0x0], $0xffff  }
0x6f: {  	v23 =	vld.idx.msk [tilespmem:v23+s2+$0x0], $0xffff  }
0x70: {  	v24 =	vld.idx.msk [tilespmem:v24+s2+$0x0], $0xffff  }
0x71: {  	v25 =	vld.idx.msk [tilespmem:v25+s2+$0x0], $0xffff  }
0x72: {  	v26 =	vld.idx.msk [tilespmem:v26+s2+$0x0], $0xffff  }
0x73: {  	v27 =	vld.idx.msk [tilespmem:v27+s2+$0x0], $0xffff  }
0x74: {  	v28 =	vld.idx.msk [tilespmem:v28+s2+$0x0], $0xffff  }
0x75: {  	v29 =	vld.idx.msk [tilespmem:v29+s2+$0x0], $0xffff  }
0x76: {  	v30 =	vld.idx.msk [tilespmem:v30+s2+$0x0], $0xffff  }
0x77: {  	v31 =	vld.idx.msk [tilespmem:v31+s2+$0x0], $0xffff  }
0x78: {  	v1 =	vld.idx.msk [tilespmem:v1+s2+$0x0], $0xffff  }
0x79: {  	v2 =	vld.idx.msk [tilespmem:v2+s2+$0x0], $0xffff  }
0x7a: {  	v3 =	vld.idx.msk [tilespmem:v3+s2+$0x0], $0xffff  }
0x7b: {  	v4 =	vld.idx.msk [tilespmem:v4+s2+$0x0], $0xffff  }
0x7c: {  	v5 =	vld.idx.msk [tilespmem:v5+s2+$0x0], $0xffff  }
0x7d: {  	v6 =	vld.idx.msk [tilespmem:v6+s2+$0x0], $0xffff  }
0x7e: {  	v7 =	vld.idx.msk [tilespmem:v7+s2+$0x0], $0xffff  }
0x7f: {  	v8 =	vld.idx.msk [tilespmem:v8+s2+$0x0], $0xffff  }
0x80: {  	v9 =	vld.idx.msk [tilespmem:v9+s2+$0x0], $0xffff  }
0x81: {  	v10 =	vld.idx.msk [tilespmem:v10+s2+$0x0], $0xffff  }
0x82: {  	v11 =	vld.idx.msk [tilespmem:v11+s2+$0x0], $0xffff  }
0x83: {  	v12 =	vld.idx.msk [tilespmem:v12+s2+$0x0], $0xffff  }
0x84: {  	v13 =	vld.idx.msk [tilespmem:v13+s2+$0x0], $0xffff  }
0x85: {  	v14 =	vld.idx.msk [tilespmem:v14+s2+$0x0], $0xffff  }
0x86: {  	v15 =	vld.idx.msk [tilespmem:v15+s2+$0x0], $0xffff  }
0x87: {  	v1 =	vmax.f32 v1, v2;
	v2 =	vld.idx.msk [tilespmem:v39+s11+$0x0], $0xffff  }
0x88: {  	v1 =	vmax.f32 v1, v3;
	v3 =	vld.idx.msk [tilespmem:v32+s2+$0x0], $0xffff  }
0x89: {  	v32 =	vld [tilespmem:$0x1FDD0]  }
0x8a: {  	v1 =	vmax.f32 v1, v4;
	v4 =	vld.idx.msk [tilespmem:v33+s2+$0x0], $0xffff  }
0x8b: {  	v33 =	vld [tilespmem:$0x1FDE0]  }
0x8c: {  	v1 =	vmax.f32 v1, v5;
	v5 =	vld.idx.msk [tilespmem:v34+s2+$0x0], $0xffff  }
0x8d: {  	v34 =	vld [tilespmem:$0x1FDF0]  }
0x8e: {  	v1 =	vmax.f32 v1, v6;
	v6 =	vld.idx.msk [tilespmem:v35+s2+$0x0], $0xffff  }
0x8f: {  	v35 =	vld [tilespmem:$0x1FE00]  }
0x90: {  	v1 =	vmax.f32 v1, v7;
	v7 =	vld.idx.msk [tilespmem:v36+s2+$0x0], $0xffff  }
0x91: {  	v36 =	vld [tilespmem:$0x1FD90]  }
0x92: {  	v1 =	vmax.f32 v1, v8;
	v8 =	vld.idx.msk [tilespmem:v37+s2+$0x0], $0xffff  }
0x93: {  	v37 =	vld [tilespmem:$0x1FDA0];
	v1 =	vmax.f32 v1, v9  }
0x94: {  	v9 =	vld.idx.msk [tilespmem:v38+s2+$0x0], $0xffff;
	v1 =	vmax.f32 v1, v10  }
0x95: {  	v38 =	vld [tilespmem:$0x1FDB0];
	v1 =	vmax.f32 v1, v11  }
0x96: {  	v2 =	vld.idx.msk [tilespmem:v2+s2+$0x0], $0xffff;
	v1 =	vmax.f32 v1, v12  }
0x97: {  	v1 =	vmax.f32 v1, v13;
	v13 =	vld.idx.msk [tilespmem:v40+s11+$0x0], $0xffff  }
0x98: {  	v40 =	vld [tilespmem:$0x1FE40]  }
0x99: {  	v1 =	vmax.f32 v1, v14;
	v14 =	vld.idx.msk [tilespmem:v32+s11+$0x0], $0xffff  }
0x9a: {  	v32 =	vld [tilespmem:$0x1FEA0]  }
0x9b: {  	v10 =	vld.idx.msk [tilespmem:v36+s11+$0x0], $0xffff  }
0x9c: {  	v1 =	vmax.f32 v1, v15;
	v15 =	vld.idx.msk [tilespmem:v33+s11+$0x0], $0xffff  }
0x9d: {  	v36 =	vld [tilespmem:$0x1FE10]  }
0x9e: {  	v33 =	vld [tilespmem:$0x1FEB0]  }
0x9f: {  	v11 =	vld.idx.msk [tilespmem:v37+s11+$0x0], $0xffff  }
0xa0: {  	v1 =	vmax.f32 v1, v16;
	v16 =	vld.idx.msk [tilespmem:v34+s11+$0x0], $0xffff  }
0xa1: {  	v37 =	vld [tilespmem:$0x1FE20]  }
0xa2: {  	v34 =	vld [tilespmem:$0x1FEC0]  }
0xa3: {  	v12 =	vld.idx.msk [tilespmem:v38+s11+$0x0], $0xffff  }
0xa4: {  	v1 =	vmax.f32 v1, v17;
	v17 =	vld.idx.msk [tilespmem:v35+s11+$0x0], $0xffff  }
0xa5: {  	v38 =	vld [tilespmem:$0x1FE30];
	v1 =	vmax.f32 v1, v18  }
0xa6: {  	v35 =	vld [tilespmem:$0x1FED0];
	v1 =	vmax.f32 v1, v19  }
0xa7: {  	v1 =	vmax.f32 v1, v20;
	v13 =	vld.idx.msk [tilespmem:v13+s2+$0x0], $0xffff  }
0xa8: {  	v1 =	vmax.f32 v1, v21;
	v21 =	vld.idx.msk [tilespmem:v40+s11+$0x0], $0xffff  }
0xa9: {  	v14 =	vld.idx.msk [tilespmem:v14+s2+$0x0], $0xffff  }
0xaa: {  	v10 =	vld.idx.msk [tilespmem:v10+s2+$0x0], $0xffff  }
0xab: {  	v15 =	vld.idx.msk [tilespmem:v15+s2+$0x0], $0xffff  }
0xac: {  	v18 =	vld.idx.msk [tilespmem:v36+s11+$0x0], $0xffff  }
0xad: {  	v36 =	vld [tilespmem:$0x1FEE0]  }
0xae: {  	v11 =	vld.idx.msk [tilespmem:v11+s2+$0x0], $0xffff  }
0xaf: {  	v1 =	vmax.f32 v1, v22;
	v16 =	vld.idx.msk [tilespmem:v16+s2+$0x0], $0xffff  }
0xb0: {  	v1 =	vmax.f32 v1, v23;
	v19 =	vld.idx.msk [tilespmem:v37+s11+$0x0], $0xffff  }
0xb1: {  	v1 =	vmax.f32 v1, v24;
	v24 =	vld [tilespmem:$0x1FE50]  }
0xb2: {  	v37 =	vld [tilespmem:$0x1FEF0]  }
0xb3: {  	v12 =	vld.idx.msk [tilespmem:v12+s2+$0x0], $0xffff  }
0xb4: {  	v1 =	vmax.f32 v1, v25;
	v17 =	vld.idx.msk [tilespmem:v17+s2+$0x0], $0xffff  }
0xb5: {  	v20 =	vld.idx.msk [tilespmem:v38+s11+$0x0], $0xffff;
	v1 =	vmax.f32 v1, v26  }
0xb6: {  	v25 =	vld [tilespmem:$0x1FE70];
	v1 =	vmax.f32 v1, v27  }
0xb7: {  	v38 =	vld [tilespmem:$0x1FF00];
	v1 =	vmax.f32 v1, v28  }
0xb8: {  	v26 =	vld [tilespmem:$0x1FE80];
	v1 =	vmax.f32 v1, v29  }
0xb9: {  	v1 =	vmax.f32 v1, v30;
	v30 =	vld.idx.msk [tilespmem:v21+s2+$0x0], $0xffff  }
0xba: {  	v27 =	vld.idx.msk [tilespmem:v18+s2+$0x0], $0xffff  }
0xbb: {  	v1 =	vmax.f32 v1, v31;
	v31 =	vld [tilespmem:$0x1FE90]  }
0xbc: {  	v1 =	vmax.f32 v1, v3;
	v3 =	vld [tilespmem:$0x1FE60]  }
0xbd: {  	v22 =	vld.idx.msk [tilespmem:v24+s11+$0x0], $0xffff;
	v1 =	vmax.f32 v1, v4  }
0xbe: {  	v28 =	vld.idx.msk [tilespmem:v19+s2+$0x0], $0xffff;
	v1 =	vmax.f32 v1, v5  }
0xbf: {  	v4 =	vld.idx.msk [tilespmem:v25+s11+$0x0], $0xffff;
	v1 =	vmax.f32 v1, v6  }
0xc0: {  	v29 =	vld.idx.msk [tilespmem:v20+s2+$0x0], $0xffff;
	v1 =	vmax.f32 v1, v7  }
0xc1: {  	v5 =	vld.idx.msk [tilespmem:v26+s11+$0x0], $0xffff;
	v1 =	vmax.f32 v1, v8  }
0xc2: {  	v6 =	vld.idx.msk [tilespmem:v36+s11+$0x0], $0xffff;
	v1 =	vmax.f32 v1, v9  }
0xc3: {  	v7 =	vld.idx.msk [tilespmem:v37+s11+$0x0], $0xffff;
	v1 =	vmax.f32 v1, v2  }
0xc4: {  	v3 =	vld.idx.msk [tilespmem:v3+s11+$0x0], $0xffff;
	v1 =	vmax.f32 v1, v10  }
0xc5: {  	v8 =	vld.idx.msk [tilespmem:v38+s11+$0x0], $0xffff;
	v1 =	vmax.f32 v1, v11  }
0xc6: {  	v2 =	vld.idx.msk [tilespmem:v22+s2+$0x0], $0xffff;
	v1 =	vmax.f32 v1, v12  }
0xc7: {  	v10 =	vld.idx.msk [tilespmem:v31+s11+$0x0], $0xffff;
	v1 =	vmax.f32 v1, v13  }
0xc8: {  	v11 =	vld.idx.msk [tilespmem:v32+s11+$0x0], $0xffff;
	v1 =	vmax.f32 v1, v14  }
0xc9: {  	v12 =	vld.idx.msk [tilespmem:v33+s11+$0x0], $0xffff;
	v1 =	vmax.f32 v1, v15  }
0xca: {  	v13 =	vld.idx.msk [tilespmem:v34+s11+$0x0], $0xffff;
	v1 =	vmax.f32 v1, v16  }
0xcb: {  	v14 =	vld.idx.msk [tilespmem:v35+s11+$0x0], $0xffff;
	v1 =	vmax.f32 v1, v17  }
0xcc: {  	v3 =	vld.idx.msk [tilespmem:v3+s2+$0x0], $0xffff;
	v1 =	vmax.f32 v1, v27  }
0xcd: {  	v4 =	vld.idx.msk [tilespmem:v4+s2+$0x0], $0xffff;
	v1 =	vmax.f32 v1, v28  }
0xce: {  	v5 =	vld.idx.msk [tilespmem:v5+s2+$0x0], $0xffff;
	v1 =	vmax.f32 v1, v29  }
0xcf: {  	v40 =	vld.idx.msk [tilespmem:v10+s2+$0x0], $0xffff;
	v1 =	vmax.f32 v1, v30  }
0xd0: {  	v1 =	vmax.f32 v1, v2;
	v2 =	vld.idx.msk [tilespmem:v11+s2+$0x0], $0xffff  }
0xd1: {  	v1 =	vmax.f32 v1, v3;
	v3 =	vld.idx.msk [tilespmem:v12+s2+$0x0], $0xffff  }
0xd2: {  	v15 =	vld.idx.msk [tilespmem:v13+s2+$0x0], $0xffff;
	v1 =	vmax.f32 v1, v4  }
0xd3: {  	v16 =	vld.idx.msk [tilespmem:v14+s2+$0x0], $0xffff;
	v1 =	vmax.f32 v1, v5  }
0xd4: {  	v6 =	vld.idx.msk [tilespmem:v6+s2+$0x0], $0xffff;
	v1 =	vmax.f32 v1, v40  }
0xd5: {  	v1 =	vmax.f32 v1, v2;
	v2 =	vld.idx.msk [tilespmem:v7+s2+$0x0], $0xffff  }
0xd6: {  	v1 =	vmax.f32 v1, v3;
	v3 =	vld.idx.msk [tilespmem:v8+s2+$0x0], $0xffff  }
0xd7: {  	v17 =	vld [tilespmem:s15+$0xFFFFFFF0];
	v1 =	vmax.f32 v1, v15  }
0xd8: {  	v1 =	vmax.f32 v1, v16  }
0xd9: {  	v1 =	vmax.f32 v1, v6  }
0xda: {  	v1 =	vmax.f32 v1, v2;
	v2 =	vor.u32 $0x401, v0  }
0xdb: {  	v18 =	vor.u32 $0x403, v0;
	v1 =	vmax.f32 v1, v3  }
0xdc: {  	v19 =	vor.u32 $0x404, v0;
	v1 =	vsub.f32 v17, v1  }
0xdd: {  	v20 =	vor.u32 $0x406, v0  }
0xde: {  	v21 =	vor.u32 $0x407, v0;
	[tilespmem:s13+$0xFFFFFFF0] =	vst v1  }
0xdf: {  	v22 =	vor.u32 $0x408, v0;
	v2 =	vld.idx.msk [tilespmem:v2+s11+$0x0], $0xffff  }
0xe0: {  	v23 =	vor.u32 $0x409, v0;
	v4 =	vld.idx.msk [tilespmem:v18+s11+$0x0], $0xffff  }
0xe1: {  	v24 =	vor.u32 $0x40A, v0;
	v5 =	vld.idx.msk [tilespmem:v19+s11+$0x0], $0xffff  }
0xe2: {  	v25 =	vor.u32 $0x40B, v0;
	v6 =	vld.idx.msk [tilespmem:v20+s11+$0x0], $0xffff  }
0xe3: {  	v26 =	vor.u32 $0x40C, v0;
	v7 =	vld.idx.msk [tilespmem:v21+s11+$0x0], $0xffff  }
0xe4: {  	v27 =	vor.u32 $0x40D, v0;
	v8 =	vld.idx.msk [tilespmem:v22+s11+$0x0], $0xffff  }
0xe5: {  	v28 =	vor.u32 $0x40E, v0;
	v9 =	vld.idx.msk [tilespmem:v23+s11+$0x0], $0xffff  }
0xe6: {  	v29 =	vor.u32 $0x40F, v0;
	v10 =	vld.idx.msk [tilespmem:v24+s11+$0x0], $0xffff  }
0xe7: {  	v30 =	vor.u32 $0x410, v0;
	v11 =	vld.idx.msk [tilespmem:v25+s11+$0x0], $0xffff  }
0xe8: {  	v31 =	vor.u32 $0x411, v0;
	v12 =	vld.idx.msk [tilespmem:v26+s11+$0x0], $0xffff  }
0xe9: {  	v32 =	vor.u32 $0x412, v0;
	v13 =	vld.idx.msk [tilespmem:v27+s11+$0x0], $0xffff  }
0xea: {  	v33 =	vor.u32 $0x413, v0;
	v14 =	vld.idx.msk [tilespmem:v28+s11+$0x0], $0xffff  }
0xeb: {  	v34 =	vor.u32 $0x414, v0;
	v15 =	vld.idx.msk [tilespmem:v29+s11+$0x0], $0xffff  }
0xec: {  	v35 =	vor.u32 $0x415, v0;
	v16 =	vld.idx.msk [tilespmem:v30+s11+$0x0], $0xffff  }
0xed: {  	v36 =	vor.u32 $0x416, v0;
	v17 =	vld.idx.msk [tilespmem:v31+s11+$0x0], $0xffff  }
0xee: {  	v37 =	vor.u32 $0x417, v0;
	v18 =	vld.idx.msk [tilespmem:v32+s11+$0x0], $0xffff  }
0xef: {  	v38 =	vor.u32 $0x418, v0;
	v19 =	vld.idx.msk [tilespmem:v33+s11+$0x0], $0xffff  }
0xf0: {  	v3 =	vor.u32 $0x402, v0;
	v20 =	vld.idx.msk [tilespmem:v34+s11+$0x0], $0xffff  }
0xf1: {  	v1 =	vor.u32 $0x405, v0;
	v21 =	vld.idx.msk [tilespmem:v35+s11+$0x0], $0xffff  }
0xf2: {  	v22 =	vld.idx.msk [tilespmem:v36+s11+$0x0], $0xffff;
	v32 =	vor.u32 $0x419, v0  }
0xf3: {  	v23 =	vld.idx.msk [tilespmem:v37+s11+$0x0], $0xffff;
	v33 =	vor.u32 $0x41A, v0  }
0xf4: {  	v34 =	vor.u32 $0x41B, v0;
	v24 =	vld.idx.msk [tilespmem:v38+s11+$0x0], $0xffff  }
0xf5: {  	v35 =	vor.u32 $0x41C, v0;
	v3 =	vld.idx.msk [tilespmem:v3+s11+$0x0], $0xffff  }
0xf6: {  	v36 =	vor.u32 $0x41D, v0;
	v1 =	vld.idx.msk [tilespmem:v1+s11+$0x0], $0xffff  }
0xf7: {  	v37 =	vor.u32 $0x41E, v0;
	v25 =	vld.idx.msk [tilespmem:v32+s11+$0x0], $0xffff  }
0xf8: {  	v38 =	vor.u32 $0x41F, v0;
	v26 =	vld.idx.msk [tilespmem:v33+s11+$0x0], $0xffff  }
0xf9: {  	v27 =	vld.idx.msk [tilespmem:v34+s11+$0x0], $0xffff  }
0xfa: {  	v28 =	vld.idx.msk [tilespmem:v35+s11+$0x0], $0xffff  }
0xfb: {  	v29 =	vld.idx.msk [tilespmem:v36+s11+$0x0], $0xffff  }
0xfc: {  	v30 =	vld.idx.msk [tilespmem:v37+s11+$0x0], $0xffff  }
0xfd: {  	v31 =	vld.idx.msk [tilespmem:v38+s11+$0x0], $0xffff  }
0xfe: {  	v2 =	vld.idx.msk [tilespmem:v2+s2+$0x0], $0xffff  }
0xff: {  	v4 =	vld.idx.msk [tilespmem:v4+s2+$0x0], $0xffff  }
0x100: {  	v5 =	vld.idx.msk [tilespmem:v5+s2+$0x0], $0xffff  }
0x101: {  	v6 =	vld.idx.msk [tilespmem:v6+s2+$0x0], $0xffff  }
0x102: {  	v7 =	vld.idx.msk [tilespmem:v7+s2+$0x0], $0xffff  }
0x103: {  	v8 =	vld.idx.msk [tilespmem:v8+s2+$0x0], $0xffff  }
0x104: {  	v9 =	vld.idx.msk [tilespmem:v9+s2+$0x0], $0xffff  }
0x105: {  	v10 =	vld.idx.msk [tilespmem:v10+s2+$0x0], $0xffff  }
0x106: {  	v11 =	vld.idx.msk [tilespmem:v11+s2+$0x0], $0xffff  }
0x107: {  	v12 =	vld.idx.msk [tilespmem:v12+s2+$0x0], $0xffff  }
0x108: {  	v13 =	vld.idx.msk [tilespmem:v13+s2+$0x0], $0xffff  }
0x109: {  	v14 =	vld.idx.msk [tilespmem:v14+s2+$0x0], $0xffff  }
0x10a: {  	v15 =	vld.idx.msk [tilespmem:v15+s2+$0x0], $0xffff  }
0x10b: {  	v16 =	vld.idx.msk [tilespmem:v16+s2+$0x0], $0xffff  }
0x10c: {  	v17 =	vld.idx.msk [tilespmem:v17+s2+$0x0], $0xffff  }
0x10d: {  	v18 =	vld.idx.msk [tilespmem:v18+s2+$0x0], $0xffff  }
0x10e: {  	v19 =	vld.idx.msk [tilespmem:v19+s2+$0x0], $0xffff  }
0x10f: {  	v20 =	vld.idx.msk [tilespmem:v20+s2+$0x0], $0xffff  }
0x110: {  	v32 =	vor.u32 $0x420, v0;
	v21 =	vld.idx.msk [tilespmem:v21+s2+$0x0], $0xffff  }
0x111: {  	v33 =	vor.u32 $0x421, v0;
	v22 =	vld.idx.msk [tilespmem:v22+s2+$0x0], $0xffff  }
0x112: {  	v34 =	vor.u32 $0x422, v0;
	v23 =	vld.idx.msk [tilespmem:v23+s2+$0x0], $0xffff  }
0x113: {  	v35 =	vor.u32 $0x423, v0;
	v24 =	vld.idx.msk [tilespmem:v24+s2+$0x0], $0xffff  }
0x114: {  	v36 =	vor.u32 $0x424, v0;
	v3 =	vld.idx.msk [tilespmem:v3+s2+$0x0], $0xffff  }
0x115: {  	v37 =	vor.u32 $0x425, v0;
	v32 =	vld.idx.msk [tilespmem:v32+s11+$0x0], $0xffff  }
0x116: {  	v38 =	vor.u32 $0x426, v0;
	v33 =	vld.idx.msk [tilespmem:v33+s11+$0x0], $0xffff  }
0x117: {  	v34 =	vld.idx.msk [tilespmem:v34+s11+$0x0], $0xffff  }
0x118: {  	v35 =	vld.idx.msk [tilespmem:v35+s11+$0x0], $0xffff  }
0x119: {  	v36 =	vld.idx.msk [tilespmem:v36+s11+$0x0], $0xffff  }
0x11a: {  	v37 =	vld.idx.msk [tilespmem:v37+s11+$0x0], $0xffff  }
0x11b: {  	v38 =	vld.idx.msk [tilespmem:v38+s11+$0x0], $0xffff  }
0x11c: {  	v40 =	vld.idx.msk [tilespmem:v1+s2+$0x0], $0xffff  }
0x11d: {  	v25 =	vld.idx.msk [tilespmem:v25+s2+$0x0], $0xffff  }
0x11e: {  	v26 =	vld.idx.msk [tilespmem:v26+s2+$0x0], $0xffff  }
0x11f: {  	v1 =	vmov v39;
	v39 =	vor.u32 $0x427, v0;
	v27 =	vld.idx.msk [tilespmem:v27+s2+$0x0], $0xffff  }
0x120: {  	v28 =	vld.idx.msk [tilespmem:v28+s2+$0x0], $0xffff  }
0x121: {  	v29 =	vld.idx.msk [tilespmem:v29+s2+$0x0], $0xffff  }
0x122: {  	v30 =	vld.idx.msk [tilespmem:v30+s2+$0x0], $0xffff  }
0x123: {  	v31 =	vld.idx.msk [tilespmem:v31+s2+$0x0], $0xffff;
	v2 =	vmax.f32 v2, v3  }
0x124: {  	v2 =	vmax.f32 v2, v4;
	v3 =	vld.idx.msk [tilespmem:v39+s11+$0x0], $0xffff  }
0x125: {  	v2 =	vmax.f32 v2, v5;
	v4 =	vld.idx.msk [tilespmem:v32+s2+$0x0], $0xffff  }
0x126: {  	v39 =	vmov v1;
	v1 =	vmax.f32 v2, v40;
	v5 =	vld.idx.msk [tilespmem:v33+s2+$0x0], $0xffff  }
0x127: {  	v40 =	vor.u32 $0x428, v0;
	v2 =	vld.idx.msk [tilespmem:v34+s2+$0x0], $0xffff;
	v1 =	vmax.f32 v1, v6  }
0x128: {  	v6 =	vld.idx.msk [tilespmem:v35+s2+$0x0], $0xffff;
	v33 =	vor.u32 $0x42E, v0;
	v1 =	vmax.f32 v1, v7  }
0x129: {  	v7 =	vld.idx.msk [tilespmem:v36+s2+$0x0], $0xffff;
	v36 =	vor.u32 $0x429, v0;
	v1 =	vmax.f32 v1, v8  }
0x12a: {  	v8 =	vld.idx.msk [tilespmem:v37+s2+$0x0], $0xffff;
	v37 =	vor.u32 $0x42A, v0;
	v1 =	vmax.f32 v1, v9  }
0x12b: {  	v9 =	vld.idx.msk [tilespmem:v38+s2+$0x0], $0xffff;
	v1 =	vmax.f32 v1, v10  }
0x12c: {  	v38 =	vor.u32 $0x42B, v0;
	v1 =	vmax.f32 v1, v11;
	v11 =	vld.idx.msk [tilespmem:v40+s11+$0x0], $0xffff  }
0x12d: {  	v10 =	vor.u32 $0x42C, v0;
	v32 =	vld.idx.msk [tilespmem:v33+s11+$0x0], $0xffff  }
0x12e: {  	v40 =	vor.u32 $0x42D, v0;
	v1 =	vmax.f32 v1, v12;
	v12 =	vld.idx.msk [tilespmem:v36+s11+$0x0], $0xffff  }
0x12f: {  	v1 =	vmax.f32 v1, v13;
	v36 =	vld.idx.msk [tilespmem:v37+s11+$0x0], $0xffff;
	v37 =	vor.u32 $0x42F, v0  }
0x130: {  	v34 =	vor.u32 $0x430, v0;
	v3 =	vld.idx.msk [tilespmem:v3+s2+$0x0], $0xffff;
	v1 =	vmax.f32 v1, v14  }
0x131: {  	v38 =	vld.idx.msk [tilespmem:v38+s11+$0x0], $0xffff;
	v1 =	vmax.f32 v1, v15  }
0x132: {  	v10 =	vld.idx.msk [tilespmem:v10+s11+$0x0], $0xffff;
	v1 =	vmax.f32 v1, v16  }
0x133: {  	v35 =	vor.u32 $0x431, v0;
	v40 =	vld.idx.msk [tilespmem:v40+s11+$0x0], $0xffff;
	v1 =	vmax.f32 v1, v17  }
0x134: {  	v1 =	vmax.f32 v1, v18;
	v33 =	vld.idx.msk [tilespmem:v37+s11+$0x0], $0xffff  }
0x135: {  	v18 =	vld.idx.msk [tilespmem:v34+s11+$0x0], $0xffff;
	v1 =	vmax.f32 v1, v19  }
0x136: {  	v11 =	vld.idx.msk [tilespmem:v11+s2+$0x0], $0xffff;
	v1 =	vmax.f32 v1, v20  }
0x137: {  	v16 =	vld.idx.msk [tilespmem:v32+s2+$0x0], $0xffff;
	v1 =	vmax.f32 v1, v21  }
0x138: {  	v37 =	vor.u32 $0x433, v0;
	v19 =	vld.idx.msk [tilespmem:v35+s11+$0x0], $0xffff;
	v1 =	vmax.f32 v1, v22  }
0x139: {  	v12 =	vld.idx.msk [tilespmem:v12+s2+$0x0], $0xffff;
	v1 =	vmax.f32 v1, v23  }
0x13a: {  	v32 =	vor.u32 $0x436, v0;
	v13 =	vld.idx.msk [tilespmem:v36+s2+$0x0], $0xffff;
	v1 =	vmax.f32 v1, v24  }
0x13b: {  	v14 =	vld.idx.msk [tilespmem:v38+s2+$0x0], $0xffff;
	v1 =	vmax.f32 v1, v25  }
0x13c: {  	v36 =	vor.u32 $0x432, v0;
	v10 =	vld.idx.msk [tilespmem:v10+s2+$0x0], $0xffff;
	v1 =	vmax.f32 v1, v26  }
0x13d: {  	v21 =	vld.idx.msk [tilespmem:v37+s11+$0x0], $0xffff;
	v1 =	vmax.f32 v1, v27  }
0x13e: {  	v38 =	vor.u32 $0x434, v0;
	v15 =	vld.idx.msk [tilespmem:v40+s2+$0x0], $0xffff;
	v1 =	vmax.f32 v1, v28  }
0x13f: {  	v35 =	vld.idx.msk [tilespmem:v32+s11+$0x0], $0xffff;
	v1 =	vmax.f32 v1, v29  }
0x140: {  	v40 =	vor.u32 $0x435, v0;
	v17 =	vld.idx.msk [tilespmem:v33+s2+$0x0], $0xffff;
	v1 =	vmax.f32 v1, v30  }
0x141: {  	v23 =	vor.u32 $0x439, v0;
	v20 =	vld.idx.msk [tilespmem:v36+s11+$0x0], $0xffff;
	v1 =	vmax.f32 v1, v31  }
0x142: {  	v36 =	vld.idx.msk [tilespmem:v18+s2+$0x0], $0xffff;
	v1 =	vmax.f32 v1, v4  }
0x143: {  	v22 =	vld.idx.msk [tilespmem:v38+s11+$0x0], $0xffff;
	v1 =	vmax.f32 v1, v5  }
0x144: {  	v37 =	vld.idx.msk [tilespmem:v19+s2+$0x0], $0xffff;
	v28 =	vor.u32 $0x43D, v0;
	v1 =	vmax.f32 v1, v2  }
0x145: {  	v33 =	vor.u32 $0x437, v0;
	v34 =	vld.idx.msk [tilespmem:v40+s11+$0x0], $0xffff;
	v1 =	vmax.f32 v1, v6  }
0x146: {  	v29 =	vld.idx.msk [tilespmem:v23+s11+$0x0], $0xffff;
	v1 =	vmax.f32 v1, v7  }
0x147: {  	v30 =	vor.u32 $0x43E, v0;
	v40 =	vld.idx.msk [tilespmem:v21+s2+$0x0], $0xffff;
	v1 =	vmax.f32 v1, v8  }
0x148: {  	v21 =	vor.u32 $0x438, v0;
	v5 =	vld.idx.msk [tilespmem:v35+s2+$0x0], $0xffff;
	v1 =	vmax.f32 v1, v9  }
0x149: {  	v32 =	vld.idx.msk [tilespmem:v28+s11+$0x0], $0xffff;
	v1 =	vmax.f32 v1, v3  }
0x14a: {  	v24 =	vor.u32 $0x43A, v0;
	v2 =	vld.idx.msk [tilespmem:v33+s11+$0x0], $0xffff;
	v1 =	vmax.f32 v1, v11  }
0x14b: {  	v25 =	vor.u32 $0x43B, v0;
	v38 =	vld.idx.msk [tilespmem:v20+s2+$0x0], $0xffff;
	v1 =	vmax.f32 v1, v12  }
0x14c: {  	v26 =	vor.u32 $0x43C, v0;
	v33 =	vld.idx.msk [tilespmem:v30+s11+$0x0], $0xffff;
	v1 =	vmax.f32 v1, v13  }
0x14d: {  	v27 =	vld.idx.msk [tilespmem:v21+s11+$0x0], $0xffff;
	v1 =	vmax.f32 v1, v14  }
0x14e: {  	v31 =	vor.u32 $0x43F, v0;
	v3 =	vld.idx.msk [tilespmem:v22+s2+$0x0], $0xffff;
	v1 =	vmax.f32 v1, v10  }
0x14f: {  	v11 =	vld.idx.msk [tilespmem:v24+s11+$0x0], $0xffff;
	v1 =	vmax.f32 v1, v15  }
0x150: {  	v12 =	vld.idx.msk [tilespmem:v25+s11+$0x0], $0xffff;
	v1 =	vmax.f32 v1, v16  }
0x151: {  	v13 =	vld.idx.msk [tilespmem:v26+s11+$0x0], $0xffff;
	v1 =	vmax.f32 v1, v17  }
0x152: {  	v4 =	vld.idx.msk [tilespmem:v34+s2+$0x0], $0xffff;
	v1 =	vmax.f32 v1, v36  }
0x153: {  	v34 =	vld.idx.msk [tilespmem:v31+s11+$0x0], $0xffff;
	v1 =	vmax.f32 v1, v37  }
0x154: {  	v2 =	vld.idx.msk [tilespmem:v2+s2+$0x0], $0xffff;
	v1 =	vmax.f32 v1, v38  }
0x155: {  	v35 =	vld.idx.msk [tilespmem:v27+s2+$0x0], $0xffff;
	v1 =	vmax.f32 v1, v40  }
0x156: {  	v1 =	vmax.f32 v1, v3;
	v3 =	vld.idx.msk [tilespmem:v29+s2+$0x0], $0xffff  }
0x157: {  	v36 =	vld.idx.msk [tilespmem:v11+s2+$0x0], $0xffff;
	v1 =	vmax.f32 v1, v4  }
0x158: {  	v37 =	vld.idx.msk [tilespmem:v12+s2+$0x0], $0xffff;
	v1 =	vmax.f32 v1, v5  }
0x159: {  	v1 =	vmax.f32 v1, v2;
	v2 =	vld.idx.msk [tilespmem:v13+s2+$0x0], $0xffff  }
0x15a: {  	v6 =	vld.idx.msk [tilespmem:v32+s2+$0x0], $0xffff;
	v1 =	vmax.f32 v1, v35  }
0x15b: {  	v1 =	vmax.f32 v1, v3;
	v3 =	vld.idx.msk [tilespmem:v33+s2+$0x0], $0xffff  }
0x15c: {  	v38 =	vld.idx.msk [tilespmem:v34+s2+$0x0], $0xffff;
	v1 =	vmax.f32 v1, v36  }
0x15d: {  	v40 =	vld [tilespmem:s15+$0x0];
	v1 =	vmax.f32 v1, v37  }
0x15e: {  	v1 =	vmax.f32 v1, v2  }
0x15f: {  	p1 =	sne.s32 s16, $0x1;
	v1 =	vmax.f32 v1, v6  }
.Ltmp0:
0x160: {  	v1 =	vmax.f32 v1, v3;
	(pc) =	sbr.rel @p1 .LBB2_2-.Ltmp0, $4  }
0x161: {  	v1 =	vmax.f32 v1, v38  }
0x162: {  	v1 =	vsub.f32 v40, v1  }
0x163: {  	s14 =	sadd.s32 $0x100, s14  }
0x164: {  	s16 =	sadd.s32 $0xFFFFFFFF, s16;
	s15 =	sadd.s32 $0x20, s15;
	[tilespmem:s13+$0x0] =	vst v1;
	s13 =	sadd.s32 $0x20, s13  }
0x165: {  	s13 =	simm.s32 @p0 $0x0;
	s14 =	simm.s32 @p0 $0x18F00  }
0x166: {  	[hbm4b:s5+s13] =	stream.linear.scatter @p0 [tilespmem:s14], [sflag:$0x1], $0xC40, $0x38;
	[tilespmem:$0x19B80] =	vst v63  }
0x167: {  	s13 =	simm.s32 @p0 $0x1  }
0x168: {  	_ =	swait.ge @p0 [sflag:s13], $0xC40  }
0x169: {  	s12 =	sadd.s32 $0x1, s12;
	s14 =	simm.s32 @!p0 $0x18F00;
	[sflag:s13] =	ssyncset.done @p0 $0x0  }
0x16a: {  	p1 =	sne.s32 s12, s7;
	[sflag:s13] =	ssyncadd.s32 @p0 $0xFFFFF3C0;
	s13 =	simm.s32 @!p0 $0x0  }
0x16b: {  	[hbm4b:s6+s13] =	stream.linear.scatter @!p0 [tilespmem:s14], [sflag:$0x1], $0xAE0, $0x38;
	[tilespmem:$0x19B80] =	vst v63  }
.Ltmp1:
0x16c: {  	_ = 	snop;
	(pc) =	sbr.rel @p1 .LBB2_1-.Ltmp1, $4  }
0x16d: {  	s13 =	simm.s32 @!p0 $0x1  }
0x16e: {  	_ =	swait.ge @!p0 [sflag:s13], $0xAE0  }
0x16f: {  	[sflag:s13] =	ssyncset.done @!p0 $0x0  }
0x170: {  	[sflag:s13] =	ssyncadd.s32 @!p0 $0xFFFFF520  }
0x171: {  	_ =	sfence.sel $0x180000  }
0x172: {  	[bflag:$0x0] =	sbarrier.arrive $0xFFFF  }
0x173: {  	p0 =	sne.s32 s1, $0x0;
	_ =	strace $0x90000047  }
0x174: {  	s0 =	sadd.s32 @!p0 $0x100000, s0;
	[bflag:$0x2] =	sbarrier.arrive $0xFFFF  }
0x175: {  	[sflag:s0] =	ssyncadd.tile.s32 @!p0 $0x1;
	_ =	shalt  }
.Lfunc_end2:
_tile_overlayer_lowered:
.L_overlay_start_2:
0x176: {  	(tag) =	ssettag $0x2  }
0x177: {  	s0 =	rddreg [dreg:$0x0];
	s2 =	stileid.u32  }
0x178: {  	s1 =	rddreg [dreg:$0x1];
	p0 =	sne.s32 s2, $0x0  }
0x179: {  	s3 =	rddreg [dreg:$0x2];
	[bflag:$0x3] =	sbarrier.arrive $0xFFFF;
	s2 =	simm.s32 @!p0 $0x1C01  }
0x17a: {  	[timem:s3], [sflag:s2] =	dma.local @!p0 [hbm:s0], s1  }
0x17b: {  	s0 =	simm.s32 @!p0 $0x1  }
0x17c: {  	_ =	swait.ge @!p0 [sflag:s0], s1  }
0x17d: {  	s1 =	ssub.s32 @!p0 $0x0, s1;
	[sflag:s0] =	ssyncset.done @!p0 $0x0  }
0x17e: {  	[sflag:s0] =	ssyncadd.s32 @!p0 s1  }
0x17f: {  	[bflag:$0x3] =	sbarrier.arrive $0xFFFF  }
0x180: {  	_ =	shalt  }

</sc_bundles>
